<compile_context>
chip_gen: v7x
topology: tpu7x:2x2x1
jax: 0.10.2.dev20260603
libtpu: 0.0.44.dev20260713+nightly
codegen_flags: <defaults>
</compile_context>

<pallas_src>
import functools

import jax
import jax.numpy as jnp
from jax import lax
from jax.experimental import pallas as pl
from jax.experimental.pallas import tpu as pltpu
from jax.experimental.pallas import tpu_sc as plsc

NC = 2
NS = 16
NW = NC * NS
CHUNK = 128
IB = 1


def _sc_accumulate(x, row, col, zblk, oblk, n_acc, cpt, rpt):
    n, d = x.shape
    rpt_chunks = rpt // CHUNK
    mesh = plsc.VectorSubcoreMesh(core_axis_name="c", subcore_axis_name="s")

    @functools.partial(
        pl.kernel,
        out_type=[
            jax.ShapeDtypeStruct((NC, n_acc, d), jnp.float32),
            jax.ShapeDtypeStruct((NC, n_acc, d), jnp.float32),
        ],
        mesh=mesh,
        scratch_types=[
            pltpu.VMEM_SHARED((n_acc, d), jnp.float32),
            pltpu.VMEM((IB * CHUNK,), jnp.int32),
            pltpu.VMEM((IB * CHUNK,), jnp.int32),
            pltpu.VMEM((CHUNK, d), jnp.float32),
            pltpu.VMEM((CHUNK, d), jnp.float32),
            pltpu.SemaphoreType.DMA,
        ],
    )
    def k(x_hbm, row_hbm, col_hbm, z_hbm, o_hbm, sum_hbm, cnt_hbm,
          acc_sh, rb_v, cb_v, msg_v, ones_v, sem):
        cid = lax.axis_index("c")
        sid = lax.axis_index("s")
        wid = cid * NS + sid
        base_row = sid * rpt

        pltpu.sync_copy(o_hbm, ones_v)

        def zero_own_rows():
            pltpu.sync_copy(z_hbm, msg_v)
            for kk in range(rpt_chunks):
                pltpu.sync_copy(
                    msg_v, acc_sh.at[pl.ds(base_row + kk * CHUNK, CHUNK)])

        def drain_own_rows(dst_hbm):
            for kk in range(rpt_chunks):
                r0 = base_row + kk * CHUNK
                pltpu.sync_copy(acc_sh.at[pl.ds(r0, CHUNK)], msg_v)
                pltpu.sync_copy(msg_v, dst_hbm.at[cid, pl.ds(r0, CHUNK)])

        zero_own_rows()
        plsc.subcore_barrier()

        ebase = wid * cpt * CHUNK

        def body(g, _):
            e0 = ebase + g * IB * CHUNK
            pltpu.sync_copy(row_hbm.at[pl.ds(e0, IB * CHUNK)], rb_v)
            pltpu.sync_copy(col_hbm.at[pl.ds(e0, IB * CHUNK)], cb_v)
            for j in range(IB):
                ridx = rb_v.at[pl.ds(j * CHUNK, CHUNK)]
                cidx = cb_v.at[pl.ds(j * CHUNK, CHUNK)]
                pltpu.async_copy(x_hbm.at[ridx], msg_v, sem).wait()
                pltpu.sync_copy(msg_v, acc_sh.at[cidx], add=True)
            return 0
        lax.fori_loop(0, cpt // IB, body, 0)
        plsc.subcore_barrier()

        drain_own_rows(sum_hbm)
        zero_own_rows()
        plsc.subcore_barrier()

        def body2(g, _):
            e0 = ebase + g * IB * CHUNK
            pltpu.sync_copy(col_hbm.at[pl.ds(e0, IB * CHUNK)], cb_v)
            for j in range(IB):
                pltpu.sync_copy(
                    ones_v, acc_sh.at[cb_v.at[pl.ds(j * CHUNK, CHUNK)]],
                    add=True)
            return 0
        lax.fori_loop(0, cpt // IB, body2, 0)
        plsc.subcore_barrier()
        drain_own_rows(cnt_hbm)

    return k(x, row, col, zblk, oblk)


def _combine_body(sum_ref, cnt_ref, out_ref):
    s = sum_ref[0] + sum_ref[1]
    c = cnt_ref[0] + cnt_ref[1]
    out_ref[...] = s / jnp.maximum(c, 1.0)


def kernel(x, edge_index):
    n, d = x.shape
    e = edge_index.shape[1]
    row = edge_index[0].astype(jnp.int32)
    col = edge_index[1].astype(jnp.int32)

    chunks = -(-e // CHUNK)
    cpt = -(-chunks // NW)
    cpt = -(-cpt // IB) * IB
    e_pad = cpt * NW * CHUNK
    row = jnp.pad(row, (0, e_pad - e))
    col = jnp.pad(col, (0, e_pad - e), constant_values=n)

    rpt = -(-(n + 1) // (NS * CHUNK)) * CHUNK
    n_acc = NS * rpt

    zblk = jnp.zeros((CHUNK, d), jnp.float32)
    oblk = jnp.ones((CHUNK, d), jnp.float32)
    sums, cnt = _sc_accumulate(x, row, col, zblk, oblk, n_acc, cpt, rpt)

    rb = 400 if n % 400 == 0 else 8
    out = pl.pallas_call(
        _combine_body,
        out_shape=jax.ShapeDtypeStruct((n, d), jnp.float32),
        grid=(n // rb,),
        in_specs=[
            pl.BlockSpec((NC, rb, d), lambda i: (0, i, 0)),
            pl.BlockSpec((NC, rb, d), lambda i: (0, i, 0)),
        ],
        out_specs=pl.BlockSpec((rb, d), lambda i: (i, 0)),
    )(sums[:, :n], cnt[:, :n])
    return out

# --- scband reference (transcript-rebuilt; emitter-appended) ---
"""Pipeline reference for scband-mean-aggregator-88974542504021 (READ-ONLY COPY).

The authoritative reference and input builder live on the scoring server;
editing this copy changes nothing except your own understanding.
"""

import jax, jax.numpy as jnp
import numpy as np


def setup_inputs(seed: int = 0) -> dict:
    key = jax.random.key(seed)
    k1, k2 = jax.random.split(key)
    x = jax.random.normal(k1, (10000, 128), dtype=jnp.float32)
    edge_index = jax.random.randint(k2, (2, 320000), 0, 10000, dtype=jnp.int64)
    return {"x": x, "edge_index": edge_index}


def reference(x, edge_index):
    # Faithful translation of torch_geometric scatter(x[row], col, reduce='mean')
    row = edge_index[0]
    col = edge_index[1]
    num_nodes = x.shape[0]
    msgs = x[row]  # gather source node features per edge
    summed = jax.ops.segment_sum(msgs, col, num_segments=num_nodes)
    counts = jax.ops.segment_sum(jnp.ones((col.shape[0],), dtype=x.dtype), col, num_segments=num_nodes)
    counts = jnp.clip(counts, 1.0)  # scatter-mean clamps count to min 1 (empty segments -> 0 output)
    out = summed / counts[:, None]
    return out

if __name__ == "__main__":
    import jax
    _d = setup_inputs()
    print(jax.jit(kernel)(*tuple(_d.values())))

</pallas_src>

<mosaic_0001>
#map = affine_map<(d0, d1) -> (0, 0)>
#map1 = affine_map<(d0, d1) -> (0)>
#map2 = affine_map<(d0, d1) -> (0, 0, 0)>
module attributes {stable_mosaic.version = 14 : i64} {
  func.func @k(%arg0: i32, %arg1: i32, %arg2: memref<10000x128xf32, #tpu.memory_space<hbm>>, %arg3: memref<323584xi32, #tpu.memory_space<hbm>>, %arg4: memref<323584xi32, #tpu.memory_space<hbm>>, %arg5: memref<128x128xf32, #tpu.memory_space<hbm>>, %arg6: memref<128x128xf32, #tpu.memory_space<hbm>>, %arg7: memref<2x10240x128xf32, #tpu.memory_space<hbm>>, %arg8: memref<2x10240x128xf32, #tpu.memory_space<hbm>>, %arg9: memref<10240x128xf32, #tpu.memory_space<vmem_shared>>, %arg10: memref<128xi32, #tpu.memory_space<vmem>>, %arg11: memref<128xi32, #tpu.memory_space<vmem>>, %arg12: memref<128x128xf32, #tpu.memory_space<vmem>>, %arg13: memref<128x128xf32, #tpu.memory_space<vmem>>, %arg14: memref<!tpu.dma_semaphore, #tpu.memory_space<semaphore_mem>>) attributes {dimension_semantics = [#tpu.dimension_semantics<core_parallel>, #tpu.dimension_semantics<subcore_parallel>], iteration_bounds = array<i64: 2, 16>, scalar_prefetch = 0 : i64, scratch_operands = 6 : i64, tpu.core_type = #tpu.core_type<sc_vector_subcore>, window_params = [{transform_indices = #map}, {transform_indices = #map1}, {transform_indices = #map1}, {transform_indices = #map}, {transform_indices = #map}, {transform_indices = #map2}, {transform_indices = #map2}]} {
    %mul3A = arith.constant 16 : i32
    %mul3A_0 = arith.muli %arg0, %mul3A : i32
    %add3A = arith.addi %mul3A_0, %arg1 : i32
    %mul3A_1 = arith.constant 640 : i32
    %mul3A_2 = arith.muli %arg1, %mul3A_1 : i32
    "tpu.region"() ({
      %run_scoped3A = tpu.sem_alloc : memref<!tpu.dma_semaphore, #tpu.memory_space<semaphore_mem>>
      tpu.enqueue_dma source(%arg6 : memref<128x128xf32, #tpu.memory_space<hbm>>) target(%arg13 : memref<128x128xf32, #tpu.memory_space<vmem>>) target_semaphore(%run_scoped3A : memref<!tpu.dma_semaphore, #tpu.memory_space<semaphore_mem>>)
      tpu.wait_dma2 semaphore(%run_scoped3A : memref<!tpu.dma_semaphore, #tpu.memory_space<semaphore_mem>>) src(%arg6 : memref<128x128xf32, #tpu.memory_space<hbm>>) dst(%arg13 : memref<128x128xf32, #tpu.memory_space<vmem>>)
      tpu.yield
    }) : () -> ()
    "tpu.region"() ({
      %run_scoped3A = tpu.sem_alloc : memref<!tpu.dma_semaphore, #tpu.memory_space<semaphore_mem>>
      tpu.enqueue_dma source(%arg5 : memref<128x128xf32, #tpu.memory_space<hbm>>) target(%arg12 : memref<128x128xf32, #tpu.memory_space<vmem>>) target_semaphore(%run_scoped3A : memref<!tpu.dma_semaphore, #tpu.memory_space<semaphore_mem>>)
      tpu.wait_dma2 semaphore(%run_scoped3A : memref<!tpu.dma_semaphore, #tpu.memory_space<semaphore_mem>>) src(%arg5 : memref<128x128xf32, #tpu.memory_space<hbm>>) dst(%arg12 : memref<128x128xf32, #tpu.memory_space<vmem>>)
      tpu.yield
    }) : () -> ()
    %add3A_3 = arith.constant 0 : i32
    %add3A_4 = arith.addi %mul3A_2, %add3A_3 : i32
    "tpu.region"() ({
      %run_scoped3A = tpu.sem_alloc : memref<!tpu.dma_semaphore, #tpu.memory_space<semaphore_mem>>
      %dma_start3A = arith.constant 0 : i32
      %dma_start3A_63 = tpu.memref_slice %arg9[%add3A_4, %dma_start3A] : memref<10240x128xf32, #tpu.memory_space<vmem_shared>> -> memref<128x128xf32, #tpu.memory_space<vmem_shared>>
      %dma_start3A_64 = arith.constant 0 : i32
      %dma_start3A_65 = tpu.memref_slice %arg9[%add3A_4, %dma_start3A_64] : memref<10240x128xf32, #tpu.memory_space<vmem_shared>> -> memref<128x128xf32, #tpu.memory_space<vmem_shared>>
      tpu.enqueue_dma source(%arg12 : memref<128x128xf32, #tpu.memory_space<vmem>>) target(%dma_start3A_65 : memref<128x128xf32, #tpu.memory_space<vmem_shared>>) target_semaphore(%run_scoped3A : memref<!tpu.dma_semaphore, #tpu.memory_space<semaphore_mem>>)
      %dma_wait3A = arith.constant 0 : i32
      %dma_wait3A_66 = tpu.memref_slice %arg9[%add3A_4, %dma_wait3A] : memref<10240x128xf32, #tpu.memory_space<vmem_shared>> -> memref<128x128xf32, #tpu.memory_space<vmem_shared>>
      %dma_wait3A_67 = arith.constant 0 : i32
      %dma_wait3A_68 = tpu.memref_slice %arg9[%add3A_4, %dma_wait3A_67] : memref<10240x128xf32, #tpu.memory_space<vmem_shared>> -> memref<128x128xf32, #tpu.memory_space<vmem_shared>>
      tpu.wait_dma2 semaphore(%run_scoped3A : memref<!tpu.dma_semaphore, #tpu.memory_space<semaphore_mem>>) src(%arg12 : memref<128x128xf32, #tpu.memory_space<vmem>>) dst(%dma_wait3A_68 : memref<128x128xf32, #tpu.memory_space<vmem_shared>>)
      tpu.yield
    }) : () -> ()
    %add3A_5 = arith.constant 128 : i32
    %add3A_6 = arith.addi %mul3A_2, %add3A_5 : i32
    "tpu.region"() ({
      %run_scoped3A = tpu.sem_alloc : memref<!tpu.dma_semaphore, #tpu.memory_space<semaphore_mem>>
      %dma_start3A = arith.constant 0 : i32
      %dma_start3A_63 = tpu.memref_slice %arg9[%add3A_6, %dma_start3A] : memref<10240x128xf32, #tpu.memory_space<vmem_shared>> -> memref<128x128xf32, #tpu.memory_space<vmem_shared>>
      %dma_start3A_64 = arith.constant 0 : i32
      %dma_start3A_65 = tpu.memref_slice %arg9[%add3A_6, %dma_start3A_64] : memref<10240x128xf32, #tpu.memory_space<vmem_shared>> -> memref<128x128xf32, #tpu.memory_space<vmem_shared>>
      tpu.enqueue_dma source(%arg12 : memref<128x128xf32, #tpu.memory_space<vmem>>) target(%dma_start3A_65 : memref<128x128xf32, #tpu.memory_space<vmem_shared>>) target_semaphore(%run_scoped3A : memref<!tpu.dma_semaphore, #tpu.memory_space<semaphore_mem>>)
      %dma_wait3A = arith.constant 0 : i32
      %dma_wait3A_66 = tpu.memref_slice %arg9[%add3A_6, %dma_wait3A] : memref<10240x128xf32, #tpu.memory_space<vmem_shared>> -> memref<128x128xf32, #tpu.memory_space<vmem_shared>>
      %dma_wait3A_67 = arith.constant 0 : i32
      %dma_wait3A_68 = tpu.memref_slice %arg9[%add3A_6, %dma_wait3A_67] : memref<10240x128xf32, #tpu.memory_space<vmem_shared>> -> memref<128x128xf32, #tpu.memory_space<vmem_shared>>
      tpu.wait_dma2 semaphore(%run_scoped3A : memref<!tpu.dma_semaphore, #tpu.memory_space<semaphore_mem>>) src(%arg12 : memref<128x128xf32, #tpu.memory_space<vmem>>) dst(%dma_wait3A_68 : memref<128x128xf32, #tpu.memory_space<vmem_shared>>)
      tpu.yield
    }) : () -> ()
    %add3A_7 = arith.constant 256 : i32
    %add3A_8 = arith.addi %mul3A_2, %add3A_7 : i32
    "tpu.region"() ({
      %run_scoped3A = tpu.sem_alloc : memref<!tpu.dma_semaphore, #tpu.memory_space<semaphore_mem>>
      %dma_start3A = arith.constant 0 : i32
      %dma_start3A_63 = tpu.memref_slice %arg9[%add3A_8, %dma_start3A] : memref<10240x128xf32, #tpu.memory_space<vmem_shared>> -> memref<128x128xf32, #tpu.memory_space<vmem_shared>>
      %dma_start3A_64 = arith.constant 0 : i32
      %dma_start3A_65 = tpu.memref_slice %arg9[%add3A_8, %dma_start3A_64] : memref<10240x128xf32, #tpu.memory_space<vmem_shared>> -> memref<128x128xf32, #tpu.memory_space<vmem_shared>>
      tpu.enqueue_dma source(%arg12 : memref<128x128xf32, #tpu.memory_space<vmem>>) target(%dma_start3A_65 : memref<128x128xf32, #tpu.memory_space<vmem_shared>>) target_semaphore(%run_scoped3A : memref<!tpu.dma_semaphore, #tpu.memory_space<semaphore_mem>>)
      %dma_wait3A = arith.constant 0 : i32
      %dma_wait3A_66 = tpu.memref_slice %arg9[%add3A_8, %dma_wait3A] : memref<10240x128xf32, #tpu.memory_space<vmem_shared>> -> memref<128x128xf32, #tpu.memory_space<vmem_shared>>
      %dma_wait3A_67 = arith.constant 0 : i32
      %dma_wait3A_68 = tpu.memref_slice %arg9[%add3A_8, %dma_wait3A_67] : memref<10240x128xf32, #tpu.memory_space<vmem_shared>> -> memref<128x128xf32, #tpu.memory_space<vmem_shared>>
      tpu.wait_dma2 semaphore(%run_scoped3A : memref<!tpu.dma_semaphore, #tpu.memory_space<semaphore_mem>>) src(%arg12 : memref<128x128xf32, #tpu.memory_space<vmem>>) dst(%dma_wait3A_68 : memref<128x128xf32, #tpu.memory_space<vmem_shared>>)
      tpu.yield
    }) : () -> ()
    %add3A_9 = arith.constant 384 : i32
    %add3A_10 = arith.addi %mul3A_2, %add3A_9 : i32
    "tpu.region"() ({
      %run_scoped3A = tpu.sem_alloc : memref<!tpu.dma_semaphore, #tpu.memory_space<semaphore_mem>>
      %dma_start3A = arith.constant 0 : i32
      %dma_start3A_63 = tpu.memref_slice %arg9[%add3A_10, %dma_start3A] : memref<10240x128xf32, #tpu.memory_space<vmem_shared>> -> memref<128x128xf32, #tpu.memory_space<vmem_shared>>
      %dma_start3A_64 = arith.constant 0 : i32
      %dma_start3A_65 = tpu.memref_slice %arg9[%add3A_10, %dma_start3A_64] : memref<10240x128xf32, #tpu.memory_space<vmem_shared>> -> memref<128x128xf32, #tpu.memory_space<vmem_shared>>
      tpu.enqueue_dma source(%arg12 : memref<128x128xf32, #tpu.memory_space<vmem>>) target(%dma_start3A_65 : memref<128x128xf32, #tpu.memory_space<vmem_shared>>) target_semaphore(%run_scoped3A : memref<!tpu.dma_semaphore, #tpu.memory_space<semaphore_mem>>)
      %dma_wait3A = arith.constant 0 : i32
      %dma_wait3A_66 = tpu.memref_slice %arg9[%add3A_10, %dma_wait3A] : memref<10240x128xf32, #tpu.memory_space<vmem_shared>> -> memref<128x128xf32, #tpu.memory_space<vmem_shared>>
      %dma_wait3A_67 = arith.constant 0 : i32
      %dma_wait3A_68 = tpu.memref_slice %arg9[%add3A_10, %dma_wait3A_67] : memref<10240x128xf32, #tpu.memory_space<vmem_shared>> -> memref<128x128xf32, #tpu.memory_space<vmem_shared>>
      tpu.wait_dma2 semaphore(%run_scoped3A : memref<!tpu.dma_semaphore, #tpu.memory_space<semaphore_mem>>) src(%arg12 : memref<128x128xf32, #tpu.memory_space<vmem>>) dst(%dma_wait3A_68 : memref<128x128xf32, #tpu.memory_space<vmem_shared>>)
      tpu.yield
    }) : () -> ()
    %add3A_11 = arith.constant 512 : i32
    %add3A_12 = arith.addi %mul3A_2, %add3A_11 : i32
    "tpu.region"() ({
      %run_scoped3A = tpu.sem_alloc : memref<!tpu.dma_semaphore, #tpu.memory_space<semaphore_mem>>
      %dma_start3A = arith.constant 0 : i32
      %dma_start3A_63 = tpu.memref_slice %arg9[%add3A_12, %dma_start3A] : memref<10240x128xf32, #tpu.memory_space<vmem_shared>> -> memref<128x128xf32, #tpu.memory_space<vmem_shared>>
      %dma_start3A_64 = arith.constant 0 : i32
      %dma_start3A_65 = tpu.memref_slice %arg9[%add3A_12, %dma_start3A_64] : memref<10240x128xf32, #tpu.memory_space<vmem_shared>> -> memref<128x128xf32, #tpu.memory_space<vmem_shared>>
      tpu.enqueue_dma source(%arg12 : memref<128x128xf32, #tpu.memory_space<vmem>>) target(%dma_start3A_65 : memref<128x128xf32, #tpu.memory_space<vmem_shared>>) target_semaphore(%run_scoped3A : memref<!tpu.dma_semaphore, #tpu.memory_space<semaphore_mem>>)
      %dma_wait3A = arith.constant 0 : i32
      %dma_wait3A_66 = tpu.memref_slice %arg9[%add3A_12, %dma_wait3A] : memref<10240x128xf32, #tpu.memory_space<vmem_shared>> -> memref<128x128xf32, #tpu.memory_space<vmem_shared>>
      %dma_wait3A_67 = arith.constant 0 : i32
      %dma_wait3A_68 = tpu.memref_slice %arg9[%add3A_12, %dma_wait3A_67] : memref<10240x128xf32, #tpu.memory_space<vmem_shared>> -> memref<128x128xf32, #tpu.memory_space<vmem_shared>>
      tpu.wait_dma2 semaphore(%run_scoped3A : memref<!tpu.dma_semaphore, #tpu.memory_space<semaphore_mem>>) src(%arg12 : memref<128x128xf32, #tpu.memory_space<vmem>>) dst(%dma_wait3A_68 : memref<128x128xf32, #tpu.memory_space<vmem_shared>>)
      tpu.yield
    }) : () -> ()
    %barrier3A = arith.constant 0 : index
    tpu.barrier barrier_id(%barrier3A)
    %mul3A_13 = arith.constant 79 : i32
    %mul3A_14 = arith.muli %add3A, %mul3A_13 : i32
    %mul3A_15 = arith.constant 128 : i32
    %mul3A_16 = arith.muli %mul3A_14, %mul3A_15 : i32
    %scan3A = arith.constant 0 : i32
    %scan3A_17 = arith.constant 0 : i32
    %scan3A_18 = arith.constant 79 : i32
    %scan3A_19 = arith.addi %scan3A_17, %scan3A_18 : i32
    %scan3A_20 = arith.constant 1 : i32
    %scan3A_21 = scf.for %scan3A_63 = %scan3A_17 to %scan3A_19 step %scan3A_20 iter_args(%scan3A_64 = %scan3A) -> (i32)  : i32 {
      %mul3A_65 = arith.constant 1 : i32
      %mul3A_66 = arith.muli %scan3A_63, %mul3A_65 : i32
      %mul3A_67 = arith.constant 128 : i32
      %mul3A_68 = arith.muli %mul3A_66, %mul3A_67 : i32
      %add3A_69 = arith.addi %mul3A_16, %mul3A_68 : i32
      "tpu.region"() ({
        %run_scoped3A = tpu.sem_alloc : memref<!tpu.dma_semaphore, #tpu.memory_space<semaphore_mem>>
        %dma_start3A_79 = tpu.memref_slice %arg3[%add3A_69] : memref<323584xi32, #tpu.memory_space<hbm>> -> memref<128xi32, #tpu.memory_space<hbm>>
        %dma_start3A_80 = tpu.memref_slice %arg3[%add3A_69] : memref<323584xi32, #tpu.memory_space<hbm>> -> memref<128xi32, #tpu.memory_space<hbm>>
        tpu.enqueue_dma source(%dma_start3A_80 : memref<128xi32, #tpu.memory_space<hbm>>) target(%arg10 : memref<128xi32, #tpu.memory_space<vmem>>) target_semaphore(%run_scoped3A : memref<!tpu.dma_semaphore, #tpu.memory_space<semaphore_mem>>)
        %dma_wait3A_81 = tpu.memref_slice %arg3[%add3A_69] : memref<323584xi32, #tpu.memory_space<hbm>> -> memref<128xi32, #tpu.memory_space<hbm>>
        %dma_wait3A_82 = tpu.memref_slice %arg3[%add3A_69] : memref<323584xi32, #tpu.memory_space<hbm>> -> memref<128xi32, #tpu.memory_space<hbm>>
        tpu.wait_dma2 semaphore(%run_scoped3A : memref<!tpu.dma_semaphore, #tpu.memory_space<semaphore_mem>>) src(%dma_wait3A_82 : memref<128xi32, #tpu.memory_space<hbm>>) dst(%arg10 : memref<128xi32, #tpu.memory_space<vmem>>)
        tpu.yield
      }) : () -> ()
      "tpu.region"() ({
        %run_scoped3A = tpu.sem_alloc : memref<!tpu.dma_semaphore, #tpu.memory_space<semaphore_mem>>
        %dma_start3A_79 = tpu.memref_slice %arg4[%add3A_69] : memref<323584xi32, #tpu.memory_space<hbm>> -> memref<128xi32, #tpu.memory_space<hbm>>
        %dma_start3A_80 = tpu.memref_slice %arg4[%add3A_69] : memref<323584xi32, #tpu.memory_space<hbm>> -> memref<128xi32, #tpu.memory_space<hbm>>
        tpu.enqueue_dma source(%dma_start3A_80 : memref<128xi32, #tpu.memory_space<hbm>>) target(%arg11 : memref<128xi32, #tpu.memory_space<vmem>>) target_semaphore(%run_scoped3A : memref<!tpu.dma_semaphore, #tpu.memory_space<semaphore_mem>>)
        %dma_wait3A_81 = tpu.memref_slice %arg4[%add3A_69] : memref<323584xi32, #tpu.memory_space<hbm>> -> memref<128xi32, #tpu.memory_space<hbm>>
        %dma_wait3A_82 = tpu.memref_slice %arg4[%add3A_69] : memref<323584xi32, #tpu.memory_space<hbm>> -> memref<128xi32, #tpu.memory_space<hbm>>
        tpu.wait_dma2 semaphore(%run_scoped3A : memref<!tpu.dma_semaphore, #tpu.memory_space<semaphore_mem>>) src(%dma_wait3A_82 : memref<128xi32, #tpu.memory_space<hbm>>) dst(%arg11 : memref<128xi32, #tpu.memory_space<vmem>>)
        tpu.yield
      }) : () -> ()
      %dma_start3A = arith.constant 0 : i32
      %dma_start3A_70 = tpu.memref_slice %arg10[%dma_start3A] : memref<128xi32, #tpu.memory_space<vmem>> -> memref<128xi32, #tpu.memory_space<vmem>>
      %dma_start3A_71 = arith.constant 0 : i32
      %dma_start3A_72 = arith.constant 0 : i32
      %dma_start3A_73 = tpu.memref_slice %arg2[%dma_start3A_71, %dma_start3A_72] : memref<10000x128xf32, #tpu.memory_space<hbm>> -> memref<10000x128xf32, #tpu.memory_space<hbm>>
      tpu.enqueue_indirect_dma source(%dma_start3A_73 : memref<10000x128xf32, #tpu.memory_space<hbm>>) target(%arg12 : memref<128x128xf32, #tpu.memory_space<vmem>>) offsets(%dma_start3A_70 : memref<128xi32, #tpu.memory_space<vmem>>) semaphore(%arg14 : memref<!tpu.dma_semaphore, #tpu.memory_space<semaphore_mem>>)
      %dma_wait3A = arith.constant 0 : i32
      %dma_wait3A_74 = tpu.memref_slice %arg10[%dma_wait3A] : memref<128xi32, #tpu.memory_space<vmem>> -> memref<128xi32, #tpu.memory_space<vmem>>
      %dma_wait3A_75 = arith.constant 0 : i32
      %dma_wait3A_76 = arith.constant 0 : i32
      %dma_wait3A_77 = tpu.memref_slice %arg2[%dma_wait3A_75, %dma_wait3A_76] : memref<10000x128xf32, #tpu.memory_space<hbm>> -> memref<10000x128xf32, #tpu.memory_space<hbm>>
      tpu.wait_indirect_dma semaphore(%arg14 : memref<!tpu.dma_semaphore, #tpu.memory_space<semaphore_mem>>) src(%dma_wait3A_77 : memref<10000x128xf32, #tpu.memory_space<hbm>>) dst(%arg12 : memref<128x128xf32, #tpu.memory_space<vmem>>)
      "tpu.region"() ({
        %run_scoped3A = tpu.sem_alloc : memref<!tpu.dma_semaphore, #tpu.memory_space<semaphore_mem>>
        %dma_start3A_79 = arith.constant 0 : i32
        %dma_start3A_80 = tpu.memref_slice %arg11[%dma_start3A_79] : memref<128xi32, #tpu.memory_space<vmem>> -> memref<128xi32, #tpu.memory_space<vmem>>
        %dma_start3A_81 = arith.constant 0 : i32
        %dma_start3A_82 = arith.constant 0 : i32
        %dma_start3A_83 = tpu.memref_slice %arg9[%dma_start3A_81, %dma_start3A_82] : memref<10240x128xf32, #tpu.memory_space<vmem_shared>> -> memref<10240x128xf32, #tpu.memory_space<vmem_shared>>
        tpu.enqueue_indirect_dma source(%arg12 : memref<128x128xf32, #tpu.memory_space<vmem>>) target(%dma_start3A_83 : memref<10240x128xf32, #tpu.memory_space<vmem_shared>>) offsets(%dma_start3A_80 : memref<128xi32, #tpu.memory_space<vmem>>) semaphore(%run_scoped3A : memref<!tpu.dma_semaphore, #tpu.memory_space<semaphore_mem>>) {add = true}
        %dma_wait3A_84 = arith.constant 0 : i32
        %dma_wait3A_85 = tpu.memref_slice %arg11[%dma_wait3A_84] : memref<128xi32, #tpu.memory_space<vmem>> -> memref<128xi32, #tpu.memory_space<vmem>>
        %dma_wait3A_86 = arith.constant 0 : i32
        %dma_wait3A_87 = arith.constant 0 : i32
        %dma_wait3A_88 = tpu.memref_slice %arg9[%dma_wait3A_86, %dma_wait3A_87] : memref<10240x128xf32, #tpu.memory_space<vmem_shared>> -> memref<10240x128xf32, #tpu.memory_space<vmem_shared>>
        tpu.wait_indirect_dma semaphore(%run_scoped3A : memref<!tpu.dma_semaphore, #tpu.memory_space<semaphore_mem>>) src(%arg12 : memref<128x128xf32, #tpu.memory_space<vmem>>) dst(%dma_wait3A_88 : memref<10240x128xf32, #tpu.memory_space<vmem_shared>>)
        tpu.yield
      }) : () -> ()
      %scan3A_78 = arith.constant 0 : i32
      scf.yield %scan3A_78 : i32
    }
    %scan3A_22 = arith.constant 79 : i32
    %barrier3A_23 = arith.constant 0 : index
    tpu.barrier barrier_id(%barrier3A_23)
    %add3A_24 = arith.constant 0 : i32
    %add3A_25 = arith.addi %mul3A_2, %add3A_24 : i32
    "tpu.region"() ({
      %run_scoped3A = tpu.sem_alloc : memref<!tpu.dma_semaphore, #tpu.memory_space<semaphore_mem>>
      %dma_start3A = arith.constant 0 : i32
      %dma_start3A_63 = tpu.memref_slice %arg9[%add3A_25, %dma_start3A] : memref<10240x128xf32, #tpu.memory_space<vmem_shared>> -> memref<128x128xf32, #tpu.memory_space<vmem_shared>>
      %dma_start3A_64 = arith.constant 0 : i32
      %dma_start3A_65 = tpu.memref_slice %arg9[%add3A_25, %dma_start3A_64] : memref<10240x128xf32, #tpu.memory_space<vmem_shared>> -> memref<128x128xf32, #tpu.memory_space<vmem_shared>>
      tpu.enqueue_dma source(%dma_start3A_65 : memref<128x128xf32, #tpu.memory_space<vmem_shared>>) target(%arg12 : memref<128x128xf32, #tpu.memory_space<vmem>>) target_semaphore(%run_scoped3A : memref<!tpu.dma_semaphore, #tpu.memory_space<semaphore_mem>>)
      %dma_wait3A = arith.constant 0 : i32
      %dma_wait3A_66 = tpu.memref_slice %arg9[%add3A_25, %dma_wait3A] : memref<10240x128xf32, #tpu.memory_space<vmem_shared>> -> memref<128x128xf32, #tpu.memory_space<vmem_shared>>
      %dma_wait3A_67 = arith.constant 0 : i32
      %dma_wait3A_68 = tpu.memref_slice %arg9[%add3A_25, %dma_wait3A_67] : memref<10240x128xf32, #tpu.memory_space<vmem_shared>> -> memref<128x128xf32, #tpu.memory_space<vmem_shared>>
      tpu.wait_dma2 semaphore(%run_scoped3A : memref<!tpu.dma_semaphore, #tpu.memory_space<semaphore_mem>>) src(%dma_wait3A_68 : memref<128x128xf32, #tpu.memory_space<vmem_shared>>) dst(%arg12 : memref<128x128xf32, #tpu.memory_space<vmem>>)
      tpu.yield
    }) : () -> ()
    "tpu.region"() ({
      %run_scoped3A = tpu.sem_alloc : memref<!tpu.dma_semaphore, #tpu.memory_space<semaphore_mem>>
      %dma_start3A = arith.constant 0 : i32
      %dma_start3A_63 = tpu.memref_slice %arg7[%arg0, %add3A_25, %dma_start3A] : memref<2x10240x128xf32, #tpu.memory_space<hbm>> -> memref<1x128x128xf32, #tpu.memory_space<hbm>>
      %dma_start3A_64 = tpu.memref_squeeze %dma_start3A_63 : memref<1x128x128xf32, #tpu.memory_space<hbm>> -> memref<128x128xf32, #tpu.memory_space<hbm>>
      %dma_start3A_65 = arith.constant 0 : i32
      %dma_start3A_66 = tpu.memref_slice %arg7[%arg0, %add3A_25, %dma_start3A_65] : memref<2x10240x128xf32, #tpu.memory_space<hbm>> -> memref<1x128x128xf32, #tpu.memory_space<hbm>>
      %dma_start3A_67 = tpu.memref_squeeze %dma_start3A_66 : memref<1x128x128xf32, #tpu.memory_space<hbm>> -> memref<128x128xf32, #tpu.memory_space<hbm>>
      tpu.enqueue_dma source(%arg12 : memref<128x128xf32, #tpu.memory_space<vmem>>) target(%dma_start3A_67 : memref<128x128xf32, #tpu.memory_space<hbm>>) target_semaphore(%run_scoped3A : memref<!tpu.dma_semaphore, #tpu.memory_space<semaphore_mem>>)
      %dma_wait3A = arith.constant 0 : i32
      %dma_wait3A_68 = tpu.memref_slice %arg7[%arg0, %add3A_25, %dma_wait3A] : memref<2x10240x128xf32, #tpu.memory_space<hbm>> -> memref<1x128x128xf32, #tpu.memory_space<hbm>>
      %dma_wait3A_69 = tpu.memref_squeeze %dma_wait3A_68 : memref<1x128x128xf32, #tpu.memory_space<hbm>> -> memref<128x128xf32, #tpu.memory_space<hbm>>
      %dma_wait3A_70 = arith.constant 0 : i32
      %dma_wait3A_71 = tpu.memref_slice %arg7[%arg0, %add3A_25, %dma_wait3A_70] : memref<2x10240x128xf32, #tpu.memory_space<hbm>> -> memref<1x128x128xf32, #tpu.memory_space<hbm>>
      %dma_wait3A_72 = tpu.memref_squeeze %dma_wait3A_71 : memref<1x128x128xf32, #tpu.memory_space<hbm>> -> memref<128x128xf32, #tpu.memory_space<hbm>>
      tpu.wait_dma2 semaphore(%run_scoped3A : memref<!tpu.dma_semaphore, #tpu.memory_space<semaphore_mem>>) src(%arg12 : memref<128x128xf32, #tpu.memory_space<vmem>>) dst(%dma_wait3A_72 : memref<128x128xf32, #tpu.memory_space<hbm>>)
      tpu.yield
    }) : () -> ()
    %add3A_26 = arith.constant 128 : i32
    %add3A_27 = arith.addi %mul3A_2, %add3A_26 : i32
    "tpu.region"() ({
      %run_scoped3A = tpu.sem_alloc : memref<!tpu.dma_semaphore, #tpu.memory_space<semaphore_mem>>
      %dma_start3A = arith.constant 0 : i32
      %dma_start3A_63 = tpu.memref_slice %arg9[%add3A_27, %dma_start3A] : memref<10240x128xf32, #tpu.memory_space<vmem_shared>> -> memref<128x128xf32, #tpu.memory_space<vmem_shared>>
      %dma_start3A_64 = arith.constant 0 : i32
      %dma_start3A_65 = tpu.memref_slice %arg9[%add3A_27, %dma_start3A_64] : memref<10240x128xf32, #tpu.memory_space<vmem_shared>> -> memref<128x128xf32, #tpu.memory_space<vmem_shared>>
      tpu.enqueue_dma source(%dma_start3A_65 : memref<128x128xf32, #tpu.memory_space<vmem_shared>>) target(%arg12 : memref<128x128xf32, #tpu.memory_space<vmem>>) target_semaphore(%run_scoped3A : memref<!tpu.dma_semaphore, #tpu.memory_space<semaphore_mem>>)
      %dma_wait3A = arith.constant 0 : i32
      %dma_wait3A_66 = tpu.memref_slice %arg9[%add3A_27, %dma_wait3A] : memref<10240x128xf32, #tpu.memory_space<vmem_shared>> -> memref<128x128xf32, #tpu.memory_space<vmem_shared>>
      %dma_wait3A_67 = arith.constant 0 : i32
      %dma_wait3A_68 = tpu.memref_slice %arg9[%add3A_27, %dma_wait3A_67] : memref<10240x128xf32, #tpu.memory_space<vmem_shared>> -> memref<128x128xf32, #tpu.memory_space<vmem_shared>>
      tpu.wait_dma2 semaphore(%run_scoped3A : memref<!tpu.dma_semaphore, #tpu.memory_space<semaphore_mem>>) src(%dma_wait3A_68 : memref<128x128xf32, #tpu.memory_space<vmem_shared>>) dst(%arg12 : memref<128x128xf32, #tpu.memory_space<vmem>>)
      tpu.yield
    }) : () -> ()
    "tpu.region"() ({
      %run_scoped3A = tpu.sem_alloc : memref<!tpu.dma_semaphore, #tpu.memory_space<semaphore_mem>>
      %dma_start3A = arith.constant 0 : i32
      %dma_start3A_63 = tpu.memref_slice %arg7[%arg0, %add3A_27, %dma_start3A] : memref<2x10240x128xf32, #tpu.memory_space<hbm>> -> memref<1x128x128xf32, #tpu.memory_space<hbm>>
      %dma_start3A_64 = tpu.memref_squeeze %dma_start3A_63 : memref<1x128x128xf32, #tpu.memory_space<hbm>> -> memref<128x128xf32, #tpu.memory_space<hbm>>
      %dma_start3A_65 = arith.constant 0 : i32
      %dma_start3A_66 = tpu.memref_slice %arg7[%arg0, %add3A_27, %dma_start3A_65] : memref<2x10240x128xf32, #tpu.memory_space<hbm>> -> memref<1x128x128xf32, #tpu.memory_space<hbm>>
      %dma_start3A_67 = tpu.memref_squeeze %dma_start3A_66 : memref<1x128x128xf32, #tpu.memory_space<hbm>> -> memref<128x128xf32, #tpu.memory_space<hbm>>
      tpu.enqueue_dma source(%arg12 : memref<128x128xf32, #tpu.memory_space<vmem>>) target(%dma_start3A_67 : memref<128x128xf32, #tpu.memory_space<hbm>>) target_semaphore(%run_scoped3A : memref<!tpu.dma_semaphore, #tpu.memory_space<semaphore_mem>>)
      %dma_wait3A = arith.constant 0 : i32
      %dma_wait3A_68 = tpu.memref_slice %arg7[%arg0, %add3A_27, %dma_wait3A] : memref<2x10240x128xf32, #tpu.memory_space<hbm>> -> memref<1x128x128xf32, #tpu.memory_space<hbm>>
      %dma_wait3A_69 = tpu.memref_squeeze %dma_wait3A_68 : memref<1x128x128xf32, #tpu.memory_space<hbm>> -> memref<128x128xf32, #tpu.memory_space<hbm>>
      %dma_wait3A_70 = arith.constant 0 : i32
      %dma_wait3A_71 = tpu.memref_slice %arg7[%arg0, %add3A_27, %dma_wait3A_70] : memref<2x10240x128xf32, #tpu.memory_space<hbm>> -> memref<1x128x128xf32, #tpu.memory_space<hbm>>
      %dma_wait3A_72 = tpu.memref_squeeze %dma_wait3A_71 : memref<1x128x128xf32, #tpu.memory_space<hbm>> -> memref<128x128xf32, #tpu.memory_space<hbm>>
      tpu.wait_dma2 semaphore(%run_scoped3A : memref<!tpu.dma_semaphore, #tpu.memory_space<semaphore_mem>>) src(%arg12 : memref<128x128xf32, #tpu.memory_space<vmem>>) dst(%dma_wait3A_72 : memref<128x128xf32, #tpu.memory_space<hbm>>)
      tpu.yield
    }) : () -> ()
    %add3A_28 = arith.constant 256 : i32
    %add3A_29 = arith.addi %mul3A_2, %add3A_28 : i32
    "tpu.region"() ({
      %run_scoped3A = tpu.sem_alloc : memref<!tpu.dma_semaphore, #tpu.memory_space<semaphore_mem>>
      %dma_start3A = arith.constant 0 : i32
      %dma_start3A_63 = tpu.memref_slice %arg9[%add3A_29, %dma_start3A] : memref<10240x128xf32, #tpu.memory_space<vmem_shared>> -> memref<128x128xf32, #tpu.memory_space<vmem_shared>>
      %dma_start3A_64 = arith.constant 0 : i32
      %dma_start3A_65 = tpu.memref_slice %arg9[%add3A_29, %dma_start3A_64] : memref<10240x128xf32, #tpu.memory_space<vmem_shared>> -> memref<128x128xf32, #tpu.memory_space<vmem_shared>>
      tpu.enqueue_dma source(%dma_start3A_65 : memref<128x128xf32, #tpu.memory_space<vmem_shared>>) target(%arg12 : memref<128x128xf32, #tpu.memory_space<vmem>>) target_semaphore(%run_scoped3A : memref<!tpu.dma_semaphore, #tpu.memory_space<semaphore_mem>>)
      %dma_wait3A = arith.constant 0 : i32
      %dma_wait3A_66 = tpu.memref_slice %arg9[%add3A_29, %dma_wait3A] : memref<10240x128xf32, #tpu.memory_space<vmem_shared>> -> memref<128x128xf32, #tpu.memory_space<vmem_shared>>
      %dma_wait3A_67 = arith.constant 0 : i32
      %dma_wait3A_68 = tpu.memref_slice %arg9[%add3A_29, %dma_wait3A_67] : memref<10240x128xf32, #tpu.memory_space<vmem_shared>> -> memref<128x128xf32, #tpu.memory_space<vmem_shared>>
      tpu.wait_dma2 semaphore(%run_scoped3A : memref<!tpu.dma_semaphore, #tpu.memory_space<semaphore_mem>>) src(%dma_wait3A_68 : memref<128x128xf32, #tpu.memory_space<vmem_shared>>) dst(%arg12 : memref<128x128xf32, #tpu.memory_space<vmem>>)
      tpu.yield
    }) : () -> ()
    "tpu.region"() ({
      %run_scoped3A = tpu.sem_alloc : memref<!tpu.dma_semaphore, #tpu.memory_space<semaphore_mem>>
      %dma_start3A = arith.constant 0 : i32
      %dma_start3A_63 = tpu.memref_slice %arg7[%arg0, %add3A_29, %dma_start3A] : memref<2x10240x128xf32, #tpu.memory_space<hbm>> -> memref<1x128x128xf32, #tpu.memory_space<hbm>>
      %dma_start3A_64 = tpu.memref_squeeze %dma_start3A_63 : memref<1x128x128xf32, #tpu.memory_space<hbm>> -> memref<128x128xf32, #tpu.memory_space<hbm>>
      %dma_start3A_65 = arith.constant 0 : i32
      %dma_start3A_66 = tpu.memref_slice %arg7[%arg0, %add3A_29, %dma_start3A_65] : memref<2x10240x128xf32, #tpu.memory_space<hbm>> -> memref<1x128x128xf32, #tpu.memory_space<hbm>>
      %dma_start3A_67 = tpu.memref_squeeze %dma_start3A_66 : memref<1x128x128xf32, #tpu.memory_space<hbm>> -> memref<128x128xf32, #tpu.memory_space<hbm>>
      tpu.enqueue_dma source(%arg12 : memref<128x128xf32, #tpu.memory_space<vmem>>) target(%dma_start3A_67 : memref<128x128xf32, #tpu.memory_space<hbm>>) target_semaphore(%run_scoped3A : memref<!tpu.dma_semaphore, #tpu.memory_space<semaphore_mem>>)
      %dma_wait3A = arith.constant 0 : i32
      %dma_wait3A_68 = tpu.memref_slice %arg7[%arg0, %add3A_29, %dma_wait3A] : memref<2x10240x128xf32, #tpu.memory_space<hbm>> -> memref<1x128x128xf32, #tpu.memory_space<hbm>>
      %dma_wait3A_69 = tpu.memref_squeeze %dma_wait3A_68 : memref<1x128x128xf32, #tpu.memory_space<hbm>> -> memref<128x128xf32, #tpu.memory_space<hbm>>
      %dma_wait3A_70 = arith.constant 0 : i32
      %dma_wait3A_71 = tpu.memref_slice %arg7[%arg0, %add3A_29, %dma_wait3A_70] : memref<2x10240x128xf32, #tpu.memory_space<hbm>> -> memref<1x128x128xf32, #tpu.memory_space<hbm>>
      %dma_wait3A_72 = tpu.memref_squeeze %dma_wait3A_71 : memref<1x128x128xf32, #tpu.memory_space<hbm>> -> memref<128x128xf32, #tpu.memory_space<hbm>>
      tpu.wait_dma2 semaphore(%run_scoped3A : memref<!tpu.dma_semaphore, #tpu.memory_space<semaphore_mem>>) src(%arg12 : memref<128x128xf32, #tpu.memory_space<vmem>>) dst(%dma_wait3A_72 : memref<128x128xf32, #tpu.memory_space<hbm>>)
      tpu.yield
    }) : () -> ()
    %add3A_30 = arith.constant 384 : i32
    %add3A_31 = arith.addi %mul3A_2, %add3A_30 : i32
    "tpu.region"() ({
      %run_scoped3A = tpu.sem_alloc : memref<!tpu.dma_semaphore, #tpu.memory_space<semaphore_mem>>
      %dma_start3A = arith.constant 0 : i32
      %dma_start3A_63 = tpu.memref_slice %arg9[%add3A_31, %dma_start3A] : memref<10240x128xf32, #tpu.memory_space<vmem_shared>> -> memref<128x128xf32, #tpu.memory_space<vmem_shared>>
      %dma_start3A_64 = arith.constant 0 : i32
      %dma_start3A_65 = tpu.memref_slice %arg9[%add3A_31, %dma_start3A_64] : memref<10240x128xf32, #tpu.memory_space<vmem_shared>> -> memref<128x128xf32, #tpu.memory_space<vmem_shared>>
      tpu.enqueue_dma source(%dma_start3A_65 : memref<128x128xf32, #tpu.memory_space<vmem_shared>>) target(%arg12 : memref<128x128xf32, #tpu.memory_space<vmem>>) target_semaphore(%run_scoped3A : memref<!tpu.dma_semaphore, #tpu.memory_space<semaphore_mem>>)
      %dma_wait3A = arith.constant 0 : i32
      %dma_wait3A_66 = tpu.memref_slice %arg9[%add3A_31, %dma_wait3A] : memref<10240x128xf32, #tpu.memory_space<vmem_shared>> -> memref<128x128xf32, #tpu.memory_space<vmem_shared>>
      %dma_wait3A_67 = arith.constant 0 : i32
      %dma_wait3A_68 = tpu.memref_slice %arg9[%add3A_31, %dma_wait3A_67] : memref<10240x128xf32, #tpu.memory_space<vmem_shared>> -> memref<128x128xf32, #tpu.memory_space<vmem_shared>>
      tpu.wait_dma2 semaphore(%run_scoped3A : memref<!tpu.dma_semaphore, #tpu.memory_space<semaphore_mem>>) src(%dma_wait3A_68 : memref<128x128xf32, #tpu.memory_space<vmem_shared>>) dst(%arg12 : memref<128x128xf32, #tpu.memory_space<vmem>>)
      tpu.yield
    }) : () -> ()
    "tpu.region"() ({
      %run_scoped3A = tpu.sem_alloc : memref<!tpu.dma_semaphore, #tpu.memory_space<semaphore_mem>>
      %dma_start3A = arith.constant 0 : i32
      %dma_start3A_63 = tpu.memref_slice %arg7[%arg0, %add3A_31, %dma_start3A] : memref<2x10240x128xf32, #tpu.memory_space<hbm>> -> memref<1x128x128xf32, #tpu.memory_space<hbm>>
      %dma_start3A_64 = tpu.memref_squeeze %dma_start3A_63 : memref<1x128x128xf32, #tpu.memory_space<hbm>> -> memref<128x128xf32, #tpu.memory_space<hbm>>
      %dma_start3A_65 = arith.constant 0 : i32
      %dma_start3A_66 = tpu.memref_slice %arg7[%arg0, %add3A_31, %dma_start3A_65] : memref<2x10240x128xf32, #tpu.memory_space<hbm>> -> memref<1x128x128xf32, #tpu.memory_space<hbm>>
      %dma_start3A_67 = tpu.memref_squeeze %dma_start3A_66 : memref<1x128x128xf32, #tpu.memory_space<hbm>> -> memref<128x128xf32, #tpu.memory_space<hbm>>
      tpu.enqueue_dma source(%arg12 : memref<128x128xf32, #tpu.memory_space<vmem>>) target(%dma_start3A_67 : memref<128x128xf32, #tpu.memory_space<hbm>>) target_semaphore(%run_scoped3A : memref<!tpu.dma_semaphore, #tpu.memory_space<semaphore_mem>>)
      %dma_wait3A = arith.constant 0 : i32
      %dma_wait3A_68 = tpu.memref_slice %arg7[%arg0, %add3A_31, %dma_wait3A] : memref<2x10240x128xf32, #tpu.memory_space<hbm>> -> memref<1x128x128xf32, #tpu.memory_space<hbm>>
      %dma_wait3A_69 = tpu.memref_squeeze %dma_wait3A_68 : memref<1x128x128xf32, #tpu.memory_space<hbm>> -> memref<128x128xf32, #tpu.memory_space<hbm>>
      %dma_wait3A_70 = arith.constant 0 : i32
      %dma_wait3A_71 = tpu.memref_slice %arg7[%arg0, %add3A_31, %dma_wait3A_70] : memref<2x10240x128xf32, #tpu.memory_space<hbm>> -> memref<1x128x128xf32, #tpu.memory_space<hbm>>
      %dma_wait3A_72 = tpu.memref_squeeze %dma_wait3A_71 : memref<1x128x128xf32, #tpu.memory_space<hbm>> -> memref<128x128xf32, #tpu.memory_space<hbm>>
      tpu.wait_dma2 semaphore(%run_scoped3A : memref<!tpu.dma_semaphore, #tpu.memory_space<semaphore_mem>>) src(%arg12 : memref<128x128xf32, #tpu.memory_space<vmem>>) dst(%dma_wait3A_72 : memref<128x128xf32, #tpu.memory_space<hbm>>)
      tpu.yield
    }) : () -> ()
    %add3A_32 = arith.constant 512 : i32
    %add3A_33 = arith.addi %mul3A_2, %add3A_32 : i32
    "tpu.region"() ({
      %run_scoped3A = tpu.sem_alloc : memref<!tpu.dma_semaphore, #tpu.memory_space<semaphore_mem>>
      %dma_start3A = arith.constant 0 : i32
      %dma_start3A_63 = tpu.memref_slice %arg9[%add3A_33, %dma_start3A] : memref<10240x128xf32, #tpu.memory_space<vmem_shared>> -> memref<128x128xf32, #tpu.memory_space<vmem_shared>>
      %dma_start3A_64 = arith.constant 0 : i32
      %dma_start3A_65 = tpu.memref_slice %arg9[%add3A_33, %dma_start3A_64] : memref<10240x128xf32, #tpu.memory_space<vmem_shared>> -> memref<128x128xf32, #tpu.memory_space<vmem_shared>>
      tpu.enqueue_dma source(%dma_start3A_65 : memref<128x128xf32, #tpu.memory_space<vmem_shared>>) target(%arg12 : memref<128x128xf32, #tpu.memory_space<vmem>>) target_semaphore(%run_scoped3A : memref<!tpu.dma_semaphore, #tpu.memory_space<semaphore_mem>>)
      %dma_wait3A = arith.constant 0 : i32
      %dma_wait3A_66 = tpu.memref_slice %arg9[%add3A_33, %dma_wait3A] : memref<10240x128xf32, #tpu.memory_space<vmem_shared>> -> memref<128x128xf32, #tpu.memory_space<vmem_shared>>
      %dma_wait3A_67 = arith.constant 0 : i32
      %dma_wait3A_68 = tpu.memref_slice %arg9[%add3A_33, %dma_wait3A_67] : memref<10240x128xf32, #tpu.memory_space<vmem_shared>> -> memref<128x128xf32, #tpu.memory_space<vmem_shared>>
      tpu.wait_dma2 semaphore(%run_scoped3A : memref<!tpu.dma_semaphore, #tpu.memory_space<semaphore_mem>>) src(%dma_wait3A_68 : memref<128x128xf32, #tpu.memory_space<vmem_shared>>) dst(%arg12 : memref<128x128xf32, #tpu.memory_space<vmem>>)
      tpu.yield
    }) : () -> ()
    "tpu.region"() ({
      %run_scoped3A = tpu.sem_alloc : memref<!tpu.dma_semaphore, #tpu.memory_space<semaphore_mem>>
      %dma_start3A = arith.constant 0 : i32
      %dma_start3A_63 = tpu.memref_slice %arg7[%arg0, %add3A_33, %dma_start3A] : memref<2x10240x128xf32, #tpu.memory_space<hbm>> -> memref<1x128x128xf32, #tpu.memory_space<hbm>>
      %dma_start3A_64 = tpu.memref_squeeze %dma_start3A_63 : memref<1x128x128xf32, #tpu.memory_space<hbm>> -> memref<128x128xf32, #tpu.memory_space<hbm>>
      %dma_start3A_65 = arith.constant 0 : i32
      %dma_start3A_66 = tpu.memref_slice %arg7[%arg0, %add3A_33, %dma_start3A_65] : memref<2x10240x128xf32, #tpu.memory_space<hbm>> -> memref<1x128x128xf32, #tpu.memory_space<hbm>>
      %dma_start3A_67 = tpu.memref_squeeze %dma_start3A_66 : memref<1x128x128xf32, #tpu.memory_space<hbm>> -> memref<128x128xf32, #tpu.memory_space<hbm>>
      tpu.enqueue_dma source(%arg12 : memref<128x128xf32, #tpu.memory_space<vmem>>) target(%dma_start3A_67 : memref<128x128xf32, #tpu.memory_space<hbm>>) target_semaphore(%run_scoped3A : memref<!tpu.dma_semaphore, #tpu.memory_space<semaphore_mem>>)
      %dma_wait3A = arith.constant 0 : i32
      %dma_wait3A_68 = tpu.memref_slice %arg7[%arg0, %add3A_33, %dma_wait3A] : memref<2x10240x128xf32, #tpu.memory_space<hbm>> -> memref<1x128x128xf32, #tpu.memory_space<hbm>>
      %dma_wait3A_69 = tpu.memref_squeeze %dma_wait3A_68 : memref<1x128x128xf32, #tpu.memory_space<hbm>> -> memref<128x128xf32, #tpu.memory_space<hbm>>
      %dma_wait3A_70 = arith.constant 0 : i32
      %dma_wait3A_71 = tpu.memref_slice %arg7[%arg0, %add3A_33, %dma_wait3A_70] : memref<2x10240x128xf32, #tpu.memory_space<hbm>> -> memref<1x128x128xf32, #tpu.memory_space<hbm>>
      %dma_wait3A_72 = tpu.memref_squeeze %dma_wait3A_71 : memref<1x128x128xf32, #tpu.memory_space<hbm>> -> memref<128x128xf32, #tpu.memory_space<hbm>>
      tpu.wait_dma2 semaphore(%run_scoped3A : memref<!tpu.dma_semaphore, #tpu.memory_space<semaphore_mem>>) src(%arg12 : memref<128x128xf32, #tpu.memory_space<vmem>>) dst(%dma_wait3A_72 : memref<128x128xf32, #tpu.memory_space<hbm>>)
      tpu.yield
    }) : () -> ()
    "tpu.region"() ({
      %run_scoped3A = tpu.sem_alloc : memref<!tpu.dma_semaphore, #tpu.memory_space<semaphore_mem>>
      tpu.enqueue_dma source(%arg5 : memref<128x128xf32, #tpu.memory_space<hbm>>) target(%arg12 : memref<128x128xf32, #tpu.memory_space<vmem>>) target_semaphore(%run_scoped3A : memref<!tpu.dma_semaphore, #tpu.memory_space<semaphore_mem>>)
      tpu.wait_dma2 semaphore(%run_scoped3A : memref<!tpu.dma_semaphore, #tpu.memory_space<semaphore_mem>>) src(%arg5 : memref<128x128xf32, #tpu.memory_space<hbm>>) dst(%arg12 : memref<128x128xf32, #tpu.memory_space<vmem>>)
      tpu.yield
    }) : () -> ()
    %add3A_34 = arith.constant 0 : i32
    %add3A_35 = arith.addi %mul3A_2, %add3A_34 : i32
    "tpu.region"() ({
      %run_scoped3A = tpu.sem_alloc : memref<!tpu.dma_semaphore, #tpu.memory_space<semaphore_mem>>
      %dma_start3A = arith.constant 0 : i32
      %dma_start3A_63 = tpu.memref_slice %arg9[%add3A_35, %dma_start3A] : memref<10240x128xf32, #tpu.memory_space<vmem_shared>> -> memref<128x128xf32, #tpu.memory_space<vmem_shared>>
      %dma_start3A_64 = arith.constant 0 : i32
      %dma_start3A_65 = tpu.memref_slice %arg9[%add3A_35, %dma_start3A_64] : memref<10240x128xf32, #tpu.memory_space<vmem_shared>> -> memref<128x128xf32, #tpu.memory_space<vmem_shared>>
      tpu.enqueue_dma source(%arg12 : memref<128x128xf32, #tpu.memory_space<vmem>>) target(%dma_start3A_65 : memref<128x128xf32, #tpu.memory_space<vmem_shared>>) target_semaphore(%run_scoped3A : memref<!tpu.dma_semaphore, #tpu.memory_space<semaphore_mem>>)
      %dma_wait3A = arith.constant 0 : i32
      %dma_wait3A_66 = tpu.memref_slice %arg9[%add3A_35, %dma_wait3A] : memref<10240x128xf32, #tpu.memory_space<vmem_shared>> -> memref<128x128xf32, #tpu.memory_space<vmem_shared>>
      %dma_wait3A_67 = arith.constant 0 : i32
      %dma_wait3A_68 = tpu.memref_slice %arg9[%add3A_35, %dma_wait3A_67] : memref<10240x128xf32, #tpu.memory_space<vmem_shared>> -> memref<128x128xf32, #tpu.memory_space<vmem_shared>>
      tpu.wait_dma2 semaphore(%run_scoped3A : memref<!tpu.dma_semaphore, #tpu.memory_space<semaphore_mem>>) src(%arg12 : memref<128x128xf32, #tpu.memory_space<vmem>>) dst(%dma_wait3A_68 : memref<128x128xf32, #tpu.memory_space<vmem_shared>>)
      tpu.yield
    }) : () -> ()
    %add3A_36 = arith.constant 128 : i32
    %add3A_37 = arith.addi %mul3A_2, %add3A_36 : i32
    "tpu.region"() ({
      %run_scoped3A = tpu.sem_alloc : memref<!tpu.dma_semaphore, #tpu.memory_space<semaphore_mem>>
      %dma_start3A = arith.constant 0 : i32
      %dma_start3A_63 = tpu.memref_slice %arg9[%add3A_37, %dma_start3A] : memref<10240x128xf32, #tpu.memory_space<vmem_shared>> -> memref<128x128xf32, #tpu.memory_space<vmem_shared>>
      %dma_start3A_64 = arith.constant 0 : i32
      %dma_start3A_65 = tpu.memref_slice %arg9[%add3A_37, %dma_start3A_64] : memref<10240x128xf32, #tpu.memory_space<vmem_shared>> -> memref<128x128xf32, #tpu.memory_space<vmem_shared>>
      tpu.enqueue_dma source(%arg12 : memref<128x128xf32, #tpu.memory_space<vmem>>) target(%dma_start3A_65 : memref<128x128xf32, #tpu.memory_space<vmem_shared>>) target_semaphore(%run_scoped3A : memref<!tpu.dma_semaphore, #tpu.memory_space<semaphore_mem>>)
      %dma_wait3A = arith.constant 0 : i32
      %dma_wait3A_66 = tpu.memref_slice %arg9[%add3A_37, %dma_wait3A] : memref<10240x128xf32, #tpu.memory_space<vmem_shared>> -> memref<128x128xf32, #tpu.memory_space<vmem_shared>>
      %dma_wait3A_67 = arith.constant 0 : i32
      %dma_wait3A_68 = tpu.memref_slice %arg9[%add3A_37, %dma_wait3A_67] : memref<10240x128xf32, #tpu.memory_space<vmem_shared>> -> memref<128x128xf32, #tpu.memory_space<vmem_shared>>
      tpu.wait_dma2 semaphore(%run_scoped3A : memref<!tpu.dma_semaphore, #tpu.memory_space<semaphore_mem>>) src(%arg12 : memref<128x128xf32, #tpu.memory_space<vmem>>) dst(%dma_wait3A_68 : memref<128x128xf32, #tpu.memory_space<vmem_shared>>)
      tpu.yield
    }) : () -> ()
    %add3A_38 = arith.constant 256 : i32
    %add3A_39 = arith.addi %mul3A_2, %add3A_38 : i32
    "tpu.region"() ({
      %run_scoped3A = tpu.sem_alloc : memref<!tpu.dma_semaphore, #tpu.memory_space<semaphore_mem>>
      %dma_start3A = arith.constant 0 : i32
      %dma_start3A_63 = tpu.memref_slice %arg9[%add3A_39, %dma_start3A] : memref<10240x128xf32, #tpu.memory_space<vmem_shared>> -> memref<128x128xf32, #tpu.memory_space<vmem_shared>>
      %dma_start3A_64 = arith.constant 0 : i32
      %dma_start3A_65 = tpu.memref_slice %arg9[%add3A_39, %dma_start3A_64] : memref<10240x128xf32, #tpu.memory_space<vmem_shared>> -> memref<128x128xf32, #tpu.memory_space<vmem_shared>>
      tpu.enqueue_dma source(%arg12 : memref<128x128xf32, #tpu.memory_space<vmem>>) target(%dma_start3A_65 : memref<128x128xf32, #tpu.memory_space<vmem_shared>>) target_semaphore(%run_scoped3A : memref<!tpu.dma_semaphore, #tpu.memory_space<semaphore_mem>>)
      %dma_wait3A = arith.constant 0 : i32
      %dma_wait3A_66 = tpu.memref_slice %arg9[%add3A_39, %dma_wait3A] : memref<10240x128xf32, #tpu.memory_space<vmem_shared>> -> memref<128x128xf32, #tpu.memory_space<vmem_shared>>
      %dma_wait3A_67 = arith.constant 0 : i32
      %dma_wait3A_68 = tpu.memref_slice %arg9[%add3A_39, %dma_wait3A_67] : memref<10240x128xf32, #tpu.memory_space<vmem_shared>> -> memref<128x128xf32, #tpu.memory_space<vmem_shared>>
      tpu.wait_dma2 semaphore(%run_scoped3A : memref<!tpu.dma_semaphore, #tpu.memory_space<semaphore_mem>>) src(%arg12 : memref<128x128xf32, #tpu.memory_space<vmem>>) dst(%dma_wait3A_68 : memref<128x128xf32, #tpu.memory_space<vmem_shared>>)
      tpu.yield
    }) : () -> ()
    %add3A_40 = arith.constant 384 : i32
    %add3A_41 = arith.addi %mul3A_2, %add3A_40 : i32
    "tpu.region"() ({
      %run_scoped3A = tpu.sem_alloc : memref<!tpu.dma_semaphore, #tpu.memory_space<semaphore_mem>>
      %dma_start3A = arith.constant 0 : i32
      %dma_start3A_63 = tpu.memref_slice %arg9[%add3A_41, %dma_start3A] : memref<10240x128xf32, #tpu.memory_space<vmem_shared>> -> memref<128x128xf32, #tpu.memory_space<vmem_shared>>
      %dma_start3A_64 = arith.constant 0 : i32
      %dma_start3A_65 = tpu.memref_slice %arg9[%add3A_41, %dma_start3A_64] : memref<10240x128xf32, #tpu.memory_space<vmem_shared>> -> memref<128x128xf32, #tpu.memory_space<vmem_shared>>
      tpu.enqueue_dma source(%arg12 : memref<128x128xf32, #tpu.memory_space<vmem>>) target(%dma_start3A_65 : memref<128x128xf32, #tpu.memory_space<vmem_shared>>) target_semaphore(%run_scoped3A : memref<!tpu.dma_semaphore, #tpu.memory_space<semaphore_mem>>)
      %dma_wait3A = arith.constant 0 : i32
      %dma_wait3A_66 = tpu.memref_slice %arg9[%add3A_41, %dma_wait3A] : memref<10240x128xf32, #tpu.memory_space<vmem_shared>> -> memref<128x128xf32, #tpu.memory_space<vmem_shared>>
      %dma_wait3A_67 = arith.constant 0 : i32
      %dma_wait3A_68 = tpu.memref_slice %arg9[%add3A_41, %dma_wait3A_67] : memref<10240x128xf32, #tpu.memory_space<vmem_shared>> -> memref<128x128xf32, #tpu.memory_space<vmem_shared>>
      tpu.wait_dma2 semaphore(%run_scoped3A : memref<!tpu.dma_semaphore, #tpu.memory_space<semaphore_mem>>) src(%arg12 : memref<128x128xf32, #tpu.memory_space<vmem>>) dst(%dma_wait3A_68 : memref<128x128xf32, #tpu.memory_space<vmem_shared>>)
      tpu.yield
    }) : () -> ()
    %add3A_42 = arith.constant 512 : i32
    %add3A_43 = arith.addi %mul3A_2, %add3A_42 : i32
    "tpu.region"() ({
      %run_scoped3A = tpu.sem_alloc : memref<!tpu.dma_semaphore, #tpu.memory_space<semaphore_mem>>
      %dma_start3A = arith.constant 0 : i32
      %dma_start3A_63 = tpu.memref_slice %arg9[%add3A_43, %dma_start3A] : memref<10240x128xf32, #tpu.memory_space<vmem_shared>> -> memref<128x128xf32, #tpu.memory_space<vmem_shared>>
      %dma_start3A_64 = arith.constant 0 : i32
      %dma_start3A_65 = tpu.memref_slice %arg9[%add3A_43, %dma_start3A_64] : memref<10240x128xf32, #tpu.memory_space<vmem_shared>> -> memref<128x128xf32, #tpu.memory_space<vmem_shared>>
      tpu.enqueue_dma source(%arg12 : memref<128x128xf32, #tpu.memory_space<vmem>>) target(%dma_start3A_65 : memref<128x128xf32, #tpu.memory_space<vmem_shared>>) target_semaphore(%run_scoped3A : memref<!tpu.dma_semaphore, #tpu.memory_space<semaphore_mem>>)
      %dma_wait3A = arith.constant 0 : i32
      %dma_wait3A_66 = tpu.memref_slice %arg9[%add3A_43, %dma_wait3A] : memref<10240x128xf32, #tpu.memory_space<vmem_shared>> -> memref<128x128xf32, #tpu.memory_space<vmem_shared>>
      %dma_wait3A_67 = arith.constant 0 : i32
      %dma_wait3A_68 = tpu.memref_slice %arg9[%add3A_43, %dma_wait3A_67] : memref<10240x128xf32, #tpu.memory_space<vmem_shared>> -> memref<128x128xf32, #tpu.memory_space<vmem_shared>>
      tpu.wait_dma2 semaphore(%run_scoped3A : memref<!tpu.dma_semaphore, #tpu.memory_space<semaphore_mem>>) src(%arg12 : memref<128x128xf32, #tpu.memory_space<vmem>>) dst(%dma_wait3A_68 : memref<128x128xf32, #tpu.memory_space<vmem_shared>>)
      tpu.yield
    }) : () -> ()
    %barrier3A_44 = arith.constant 0 : index
    tpu.barrier barrier_id(%barrier3A_44)
    %scan3A_45 = arith.constant 0 : i32
    %scan3A_46 = arith.constant 0 : i32
    %scan3A_47 = arith.constant 79 : i32
    %scan3A_48 = arith.addi %scan3A_46, %scan3A_47 : i32
    %scan3A_49 = arith.constant 1 : i32
    %scan3A_50 = scf.for %scan3A_63 = %scan3A_46 to %scan3A_48 step %scan3A_49 iter_args(%scan3A_64 = %scan3A_45) -> (i32)  : i32 {
      %mul3A_65 = arith.constant 1 : i32
      %mul3A_66 = arith.muli %scan3A_63, %mul3A_65 : i32
      %mul3A_67 = arith.constant 128 : i32
      %mul3A_68 = arith.muli %mul3A_66, %mul3A_67 : i32
      %add3A_69 = arith.addi %mul3A_16, %mul3A_68 : i32
      "tpu.region"() ({
        %run_scoped3A = tpu.sem_alloc : memref<!tpu.dma_semaphore, #tpu.memory_space<semaphore_mem>>
        %dma_start3A = tpu.memref_slice %arg4[%add3A_69] : memref<323584xi32, #tpu.memory_space<hbm>> -> memref<128xi32, #tpu.memory_space<hbm>>
        %dma_start3A_71 = tpu.memref_slice %arg4[%add3A_69] : memref<323584xi32, #tpu.memory_space<hbm>> -> memref<128xi32, #tpu.memory_space<hbm>>
        tpu.enqueue_dma source(%dma_start3A_71 : memref<128xi32, #tpu.memory_space<hbm>>) target(%arg11 : memref<128xi32, #tpu.memory_space<vmem>>) target_semaphore(%run_scoped3A : memref<!tpu.dma_semaphore, #tpu.memory_space<semaphore_mem>>)
        %dma_wait3A = tpu.memref_slice %arg4[%add3A_69] : memref<323584xi32, #tpu.memory_space<hbm>> -> memref<128xi32, #tpu.memory_space<hbm>>
        %dma_wait3A_72 = tpu.memref_slice %arg4[%add3A_69] : memref<323584xi32, #tpu.memory_space<hbm>> -> memref<128xi32, #tpu.memory_space<hbm>>
        tpu.wait_dma2 semaphore(%run_scoped3A : memref<!tpu.dma_semaphore, #tpu.memory_space<semaphore_mem>>) src(%dma_wait3A_72 : memref<128xi32, #tpu.memory_space<hbm>>) dst(%arg11 : memref<128xi32, #tpu.memory_space<vmem>>)
        tpu.yield
      }) : () -> ()
      "tpu.region"() ({
        %run_scoped3A = tpu.sem_alloc : memref<!tpu.dma_semaphore, #tpu.memory_space<semaphore_mem>>
        %dma_start3A = arith.constant 0 : i32
        %dma_start3A_71 = tpu.memref_slice %arg11[%dma_start3A] : memref<128xi32, #tpu.memory_space<vmem>> -> memref<128xi32, #tpu.memory_space<vmem>>
        %dma_start3A_72 = arith.constant 0 : i32
        %dma_start3A_73 = arith.constant 0 : i32
        %dma_start3A_74 = tpu.memref_slice %arg9[%dma_start3A_72, %dma_start3A_73] : memref<10240x128xf32, #tpu.memory_space<vmem_shared>> -> memref<10240x128xf32, #tpu.memory_space<vmem_shared>>
        tpu.enqueue_indirect_dma source(%arg13 : memref<128x128xf32, #tpu.memory_space<vmem>>) target(%dma_start3A_74 : memref<10240x128xf32, #tpu.memory_space<vmem_shared>>) offsets(%dma_start3A_71 : memref<128xi32, #tpu.memory_space<vmem>>) semaphore(%run_scoped3A : memref<!tpu.dma_semaphore, #tpu.memory_space<semaphore_mem>>) {add = true}
        %dma_wait3A = arith.constant 0 : i32
        %dma_wait3A_75 = tpu.memref_slice %arg11[%dma_wait3A] : memref<128xi32, #tpu.memory_space<vmem>> -> memref<128xi32, #tpu.memory_space<vmem>>
        %dma_wait3A_76 = arith.constant 0 : i32
        %dma_wait3A_77 = arith.constant 0 : i32
        %dma_wait3A_78 = tpu.memref_slice %arg9[%dma_wait3A_76, %dma_wait3A_77] : memref<10240x128xf32, #tpu.memory_space<vmem_shared>> -> memref<10240x128xf32, #tpu.memory_space<vmem_shared>>
        tpu.wait_indirect_dma semaphore(%run_scoped3A : memref<!tpu.dma_semaphore, #tpu.memory_space<semaphore_mem>>) src(%arg13 : memref<128x128xf32, #tpu.memory_space<vmem>>) dst(%dma_wait3A_78 : memref<10240x128xf32, #tpu.memory_space<vmem_shared>>)
        tpu.yield
      }) : () -> ()
      %scan3A_70 = arith.constant 0 : i32
      scf.yield %scan3A_70 : i32
    }
    %scan3A_51 = arith.constant 79 : i32
    %barrier3A_52 = arith.constant 0 : index
    tpu.barrier barrier_id(%barrier3A_52)
    %add3A_53 = arith.constant 0 : i32
    %add3A_54 = arith.addi %mul3A_2, %add3A_53 : i32
    "tpu.region"() ({
      %run_scoped3A = tpu.sem_alloc : memref<!tpu.dma_semaphore, #tpu.memory_space<semaphore_mem>>
      %dma_start3A = arith.constant 0 : i32
      %dma_start3A_63 = tpu.memref_slice %arg9[%add3A_54, %dma_start3A] : memref<10240x128xf32, #tpu.memory_space<vmem_shared>> -> memref<128x128xf32, #tpu.memory_space<vmem_shared>>
      %dma_start3A_64 = arith.constant 0 : i32
      %dma_start3A_65 = tpu.memref_slice %arg9[%add3A_54, %dma_start3A_64] : memref<10240x128xf32, #tpu.memory_space<vmem_shared>> -> memref<128x128xf32, #tpu.memory_space<vmem_shared>>
      tpu.enqueue_dma source(%dma_start3A_65 : memref<128x128xf32, #tpu.memory_space<vmem_shared>>) target(%arg12 : memref<128x128xf32, #tpu.memory_space<vmem>>) target_semaphore(%run_scoped3A : memref<!tpu.dma_semaphore, #tpu.memory_space<semaphore_mem>>)
      %dma_wait3A = arith.constant 0 : i32
      %dma_wait3A_66 = tpu.memref_slice %arg9[%add3A_54, %dma_wait3A] : memref<10240x128xf32, #tpu.memory_space<vmem_shared>> -> memref<128x128xf32, #tpu.memory_space<vmem_shared>>
      %dma_wait3A_67 = arith.constant 0 : i32
      %dma_wait3A_68 = tpu.memref_slice %arg9[%add3A_54, %dma_wait3A_67] : memref<10240x128xf32, #tpu.memory_space<vmem_shared>> -> memref<128x128xf32, #tpu.memory_space<vmem_shared>>
      tpu.wait_dma2 semaphore(%run_scoped3A : memref<!tpu.dma_semaphore, #tpu.memory_space<semaphore_mem>>) src(%dma_wait3A_68 : memref<128x128xf32, #tpu.memory_space<vmem_shared>>) dst(%arg12 : memref<128x128xf32, #tpu.memory_space<vmem>>)
      tpu.yield
    }) : () -> ()
    "tpu.region"() ({
      %run_scoped3A = tpu.sem_alloc : memref<!tpu.dma_semaphore, #tpu.memory_space<semaphore_mem>>
      %dma_start3A = arith.constant 0 : i32
      %dma_start3A_63 = tpu.memref_slice %arg8[%arg0, %add3A_54, %dma_start3A] : memref<2x10240x128xf32, #tpu.memory_space<hbm>> -> memref<1x128x128xf32, #tpu.memory_space<hbm>>
      %dma_start3A_64 = tpu.memref_squeeze %dma_start3A_63 : memref<1x128x128xf32, #tpu.memory_space<hbm>> -> memref<128x128xf32, #tpu.memory_space<hbm>>
      %dma_start3A_65 = arith.constant 0 : i32
      %dma_start3A_66 = tpu.memref_slice %arg8[%arg0, %add3A_54, %dma_start3A_65] : memref<2x10240x128xf32, #tpu.memory_space<hbm>> -> memref<1x128x128xf32, #tpu.memory_space<hbm>>
      %dma_start3A_67 = tpu.memref_squeeze %dma_start3A_66 : memref<1x128x128xf32, #tpu.memory_space<hbm>> -> memref<128x128xf32, #tpu.memory_space<hbm>>
      tpu.enqueue_dma source(%arg12 : memref<128x128xf32, #tpu.memory_space<vmem>>) target(%dma_start3A_67 : memref<128x128xf32, #tpu.memory_space<hbm>>) target_semaphore(%run_scoped3A : memref<!tpu.dma_semaphore, #tpu.memory_space<semaphore_mem>>)
      %dma_wait3A = arith.constant 0 : i32
      %dma_wait3A_68 = tpu.memref_slice %arg8[%arg0, %add3A_54, %dma_wait3A] : memref<2x10240x128xf32, #tpu.memory_space<hbm>> -> memref<1x128x128xf32, #tpu.memory_space<hbm>>
      %dma_wait3A_69 = tpu.memref_squeeze %dma_wait3A_68 : memref<1x128x128xf32, #tpu.memory_space<hbm>> -> memref<128x128xf32, #tpu.memory_space<hbm>>
      %dma_wait3A_70 = arith.constant 0 : i32
      %dma_wait3A_71 = tpu.memref_slice %arg8[%arg0, %add3A_54, %dma_wait3A_70] : memref<2x10240x128xf32, #tpu.memory_space<hbm>> -> memref<1x128x128xf32, #tpu.memory_space<hbm>>
      %dma_wait3A_72 = tpu.memref_squeeze %dma_wait3A_71 : memref<1x128x128xf32, #tpu.memory_space<hbm>> -> memref<128x128xf32, #tpu.memory_space<hbm>>
      tpu.wait_dma2 semaphore(%run_scoped3A : memref<!tpu.dma_semaphore, #tpu.memory_space<semaphore_mem>>) src(%arg12 : memref<128x128xf32, #tpu.memory_space<vmem>>) dst(%dma_wait3A_72 : memref<128x128xf32, #tpu.memory_space<hbm>>)
      tpu.yield
    }) : () -> ()
    %add3A_55 = arith.constant 128 : i32
    %add3A_56 = arith.addi %mul3A_2, %add3A_55 : i32
    "tpu.region"() ({
      %run_scoped3A = tpu.sem_alloc : memref<!tpu.dma_semaphore, #tpu.memory_space<semaphore_mem>>
      %dma_start3A = arith.constant 0 : i32
      %dma_start3A_63 = tpu.memref_slice %arg9[%add3A_56, %dma_start3A] : memref<10240x128xf32, #tpu.memory_space<vmem_shared>> -> memref<128x128xf32, #tpu.memory_space<vmem_shared>>
      %dma_start3A_64 = arith.constant 0 : i32
      %dma_start3A_65 = tpu.memref_slice %arg9[%add3A_56, %dma_start3A_64] : memref<10240x128xf32, #tpu.memory_space<vmem_shared>> -> memref<128x128xf32, #tpu.memory_space<vmem_shared>>
      tpu.enqueue_dma source(%dma_start3A_65 : memref<128x128xf32, #tpu.memory_space<vmem_shared>>) target(%arg12 : memref<128x128xf32, #tpu.memory_space<vmem>>) target_semaphore(%run_scoped3A : memref<!tpu.dma_semaphore, #tpu.memory_space<semaphore_mem>>)
      %dma_wait3A = arith.constant 0 : i32
      %dma_wait3A_66 = tpu.memref_slice %arg9[%add3A_56, %dma_wait3A] : memref<10240x128xf32, #tpu.memory_space<vmem_shared>> -> memref<128x128xf32, #tpu.memory_space<vmem_shared>>
      %dma_wait3A_67 = arith.constant 0 : i32
      %dma_wait3A_68 = tpu.memref_slice %arg9[%add3A_56, %dma_wait3A_67] : memref<10240x128xf32, #tpu.memory_space<vmem_shared>> -> memref<128x128xf32, #tpu.memory_space<vmem_shared>>
      tpu.wait_dma2 semaphore(%run_scoped3A : memref<!tpu.dma_semaphore, #tpu.memory_space<semaphore_mem>>) src(%dma_wait3A_68 : memref<128x128xf32, #tpu.memory_space<vmem_shared>>) dst(%arg12 : memref<128x128xf32, #tpu.memory_space<vmem>>)
      tpu.yield
    }) : () -> ()
    "tpu.region"() ({
      %run_scoped3A = tpu.sem_alloc : memref<!tpu.dma_semaphore, #tpu.memory_space<semaphore_mem>>
      %dma_start3A = arith.constant 0 : i32
      %dma_start3A_63 = tpu.memref_slice %arg8[%arg0, %add3A_56, %dma_start3A] : memref<2x10240x128xf32, #tpu.memory_space<hbm>> -> memref<1x128x128xf32, #tpu.memory_space<hbm>>
      %dma_start3A_64 = tpu.memref_squeeze %dma_start3A_63 : memref<1x128x128xf32, #tpu.memory_space<hbm>> -> memref<128x128xf32, #tpu.memory_space<hbm>>
      %dma_start3A_65 = arith.constant 0 : i32
      %dma_start3A_66 = tpu.memref_slice %arg8[%arg0, %add3A_56, %dma_start3A_65] : memref<2x10240x128xf32, #tpu.memory_space<hbm>> -> memref<1x128x128xf32, #tpu.memory_space<hbm>>
      %dma_start3A_67 = tpu.memref_squeeze %dma_start3A_66 : memref<1x128x128xf32, #tpu.memory_space<hbm>> -> memref<128x128xf32, #tpu.memory_space<hbm>>
      tpu.enqueue_dma source(%arg12 : memref<128x128xf32, #tpu.memory_space<vmem>>) target(%dma_start3A_67 : memref<128x128xf32, #tpu.memory_space<hbm>>) target_semaphore(%run_scoped3A : memref<!tpu.dma_semaphore, #tpu.memory_space<semaphore_mem>>)
      %dma_wait3A = arith.constant 0 : i32
      %dma_wait3A_68 = tpu.memref_slice %arg8[%arg0, %add3A_56, %dma_wait3A] : memref<2x10240x128xf32, #tpu.memory_space<hbm>> -> memref<1x128x128xf32, #tpu.memory_space<hbm>>
      %dma_wait3A_69 = tpu.memref_squeeze %dma_wait3A_68 : memref<1x128x128xf32, #tpu.memory_space<hbm>> -> memref<128x128xf32, #tpu.memory_space<hbm>>
      %dma_wait3A_70 = arith.constant 0 : i32
      %dma_wait3A_71 = tpu.memref_slice %arg8[%arg0, %add3A_56, %dma_wait3A_70] : memref<2x10240x128xf32, #tpu.memory_space<hbm>> -> memref<1x128x128xf32, #tpu.memory_space<hbm>>
      %dma_wait3A_72 = tpu.memref_squeeze %dma_wait3A_71 : memref<1x128x128xf32, #tpu.memory_space<hbm>> -> memref<128x128xf32, #tpu.memory_space<hbm>>
      tpu.wait_dma2 semaphore(%run_scoped3A : memref<!tpu.dma_semaphore, #tpu.memory_space<semaphore_mem>>) src(%arg12 : memref<128x128xf32, #tpu.memory_space<vmem>>) dst(%dma_wait3A_72 : memref<128x128xf32, #tpu.memory_space<hbm>>)
      tpu.yield
    }) : () -> ()
    %add3A_57 = arith.constant 256 : i32
    %add3A_58 = arith.addi %mul3A_2, %add3A_57 : i32
    "tpu.region"() ({
      %run_scoped3A = tpu.sem_alloc : memref<!tpu.dma_semaphore, #tpu.memory_space<semaphore_mem>>
      %dma_start3A = arith.constant 0 : i32
      %dma_start3A_63 = tpu.memref_slice %arg9[%add3A_58, %dma_start3A] : memref<10240x128xf32, #tpu.memory_space<vmem_shared>> -> memref<128x128xf32, #tpu.memory_space<vmem_shared>>
      %dma_start3A_64 = arith.constant 0 : i32
      %dma_start3A_65 = tpu.memref_slice %arg9[%add3A_58, %dma_start3A_64] : memref<10240x128xf32, #tpu.memory_space<vmem_shared>> -> memref<128x128xf32, #tpu.memory_space<vmem_shared>>
      tpu.enqueue_dma source(%dma_start3A_65 : memref<128x128xf32, #tpu.memory_space<vmem_shared>>) target(%arg12 : memref<128x128xf32, #tpu.memory_space<vmem>>) target_semaphore(%run_scoped3A : memref<!tpu.dma_semaphore, #tpu.memory_space<semaphore_mem>>)
      %dma_wait3A = arith.constant 0 : i32
      %dma_wait3A_66 = tpu.memref_slice %arg9[%add3A_58, %dma_wait3A] : memref<10240x128xf32, #tpu.memory_space<vmem_shared>> -> memref<128x128xf32, #tpu.memory_space<vmem_shared>>
      %dma_wait3A_67 = arith.constant 0 : i32
      %dma_wait3A_68 = tpu.memref_slice %arg9[%add3A_58, %dma_wait3A_67] : memref<10240x128xf32, #tpu.memory_space<vmem_shared>> -> memref<128x128xf32, #tpu.memory_space<vmem_shared>>
      tpu.wait_dma2 semaphore(%run_scoped3A : memref<!tpu.dma_semaphore, #tpu.memory_space<semaphore_mem>>) src(%dma_wait3A_68 : memref<128x128xf32, #tpu.memory_space<vmem_shared>>) dst(%arg12 : memref<128x128xf32, #tpu.memory_space<vmem>>)
      tpu.yield
    }) : () -> ()
    "tpu.region"() ({
      %run_scoped3A = tpu.sem_alloc : memref<!tpu.dma_semaphore, #tpu.memory_space<semaphore_mem>>
      %dma_start3A = arith.constant 0 : i32
      %dma_start3A_63 = tpu.memref_slice %arg8[%arg0, %add3A_58, %dma_start3A] : memref<2x10240x128xf32, #tpu.memory_space<hbm>> -> memref<1x128x128xf32, #tpu.memory_space<hbm>>
      %dma_start3A_64 = tpu.memref_squeeze %dma_start3A_63 : memref<1x128x128xf32, #tpu.memory_space<hbm>> -> memref<128x128xf32, #tpu.memory_space<hbm>>
      %dma_start3A_65 = arith.constant 0 : i32
      %dma_start3A_66 = tpu.memref_slice %arg8[%arg0, %add3A_58, %dma_start3A_65] : memref<2x10240x128xf32, #tpu.memory_space<hbm>> -> memref<1x128x128xf32, #tpu.memory_space<hbm>>
      %dma_start3A_67 = tpu.memref_squeeze %dma_start3A_66 : memref<1x128x128xf32, #tpu.memory_space<hbm>> -> memref<128x128xf32, #tpu.memory_space<hbm>>
      tpu.enqueue_dma source(%arg12 : memref<128x128xf32, #tpu.memory_space<vmem>>) target(%dma_start3A_67 : memref<128x128xf32, #tpu.memory_space<hbm>>) target_semaphore(%run_scoped3A : memref<!tpu.dma_semaphore, #tpu.memory_space<semaphore_mem>>)
      %dma_wait3A = arith.constant 0 : i32
      %dma_wait3A_68 = tpu.memref_slice %arg8[%arg0, %add3A_58, %dma_wait3A] : memref<2x10240x128xf32, #tpu.memory_space<hbm>> -> memref<1x128x128xf32, #tpu.memory_space<hbm>>
      %dma_wait3A_69 = tpu.memref_squeeze %dma_wait3A_68 : memref<1x128x128xf32, #tpu.memory_space<hbm>> -> memref<128x128xf32, #tpu.memory_space<hbm>>
      %dma_wait3A_70 = arith.constant 0 : i32
      %dma_wait3A_71 = tpu.memref_slice %arg8[%arg0, %add3A_58, %dma_wait3A_70] : memref<2x10240x128xf32, #tpu.memory_space<hbm>> -> memref<1x128x128xf32, #tpu.memory_space<hbm>>
      %dma_wait3A_72 = tpu.memref_squeeze %dma_wait3A_71 : memref<1x128x128xf32, #tpu.memory_space<hbm>> -> memref<128x128xf32, #tpu.memory_space<hbm>>
      tpu.wait_dma2 semaphore(%run_scoped3A : memref<!tpu.dma_semaphore, #tpu.memory_space<semaphore_mem>>) src(%arg12 : memref<128x128xf32, #tpu.memory_space<vmem>>) dst(%dma_wait3A_72 : memref<128x128xf32, #tpu.memory_space<hbm>>)
      tpu.yield
    }) : () -> ()
    %add3A_59 = arith.constant 384 : i32
    %add3A_60 = arith.addi %mul3A_2, %add3A_59 : i32
    "tpu.region"() ({
      %run_scoped3A = tpu.sem_alloc : memref<!tpu.dma_semaphore, #tpu.memory_space<semaphore_mem>>
      %dma_start3A = arith.constant 0 : i32
      %dma_start3A_63 = tpu.memref_slice %arg9[%add3A_60, %dma_start3A] : memref<10240x128xf32, #tpu.memory_space<vmem_shared>> -> memref<128x128xf32, #tpu.memory_space<vmem_shared>>
      %dma_start3A_64 = arith.constant 0 : i32
      %dma_start3A_65 = tpu.memref_slice %arg9[%add3A_60, %dma_start3A_64] : memref<10240x128xf32, #tpu.memory_space<vmem_shared>> -> memref<128x128xf32, #tpu.memory_space<vmem_shared>>
      tpu.enqueue_dma source(%dma_start3A_65 : memref<128x128xf32, #tpu.memory_space<vmem_shared>>) target(%arg12 : memref<128x128xf32, #tpu.memory_space<vmem>>) target_semaphore(%run_scoped3A : memref<!tpu.dma_semaphore, #tpu.memory_space<semaphore_mem>>)
      %dma_wait3A = arith.constant 0 : i32
      %dma_wait3A_66 = tpu.memref_slice %arg9[%add3A_60, %dma_wait3A] : memref<10240x128xf32, #tpu.memory_space<vmem_shared>> -> memref<128x128xf32, #tpu.memory_space<vmem_shared>>
      %dma_wait3A_67 = arith.constant 0 : i32
      %dma_wait3A_68 = tpu.memref_slice %arg9[%add3A_60, %dma_wait3A_67] : memref<10240x128xf32, #tpu.memory_space<vmem_shared>> -> memref<128x128xf32, #tpu.memory_space<vmem_shared>>
      tpu.wait_dma2 semaphore(%run_scoped3A : memref<!tpu.dma_semaphore, #tpu.memory_space<semaphore_mem>>) src(%dma_wait3A_68 : memref<128x128xf32, #tpu.memory_space<vmem_shared>>) dst(%arg12 : memref<128x128xf32, #tpu.memory_space<vmem>>)
      tpu.yield
    }) : () -> ()
    "tpu.region"() ({
      %run_scoped3A = tpu.sem_alloc : memref<!tpu.dma_semaphore, #tpu.memory_space<semaphore_mem>>
      %dma_start3A = arith.constant 0 : i32
      %dma_start3A_63 = tpu.memref_slice %arg8[%arg0, %add3A_60, %dma_start3A] : memref<2x10240x128xf32, #tpu.memory_space<hbm>> -> memref<1x128x128xf32, #tpu.memory_space<hbm>>
      %dma_start3A_64 = tpu.memref_squeeze %dma_start3A_63 : memref<1x128x128xf32, #tpu.memory_space<hbm>> -> memref<128x128xf32, #tpu.memory_space<hbm>>
      %dma_start3A_65 = arith.constant 0 : i32
      %dma_start3A_66 = tpu.memref_slice %arg8[%arg0, %add3A_60, %dma_start3A_65] : memref<2x10240x128xf32, #tpu.memory_space<hbm>> -> memref<1x128x128xf32, #tpu.memory_space<hbm>>
      %dma_start3A_67 = tpu.memref_squeeze %dma_start3A_66 : memref<1x128x128xf32, #tpu.memory_space<hbm>> -> memref<128x128xf32, #tpu.memory_space<hbm>>
      tpu.enqueue_dma source(%arg12 : memref<128x128xf32, #tpu.memory_space<vmem>>) target(%dma_start3A_67 : memref<128x128xf32, #tpu.memory_space<hbm>>) target_semaphore(%run_scoped3A : memref<!tpu.dma_semaphore, #tpu.memory_space<semaphore_mem>>)
      %dma_wait3A = arith.constant 0 : i32
      %dma_wait3A_68 = tpu.memref_slice %arg8[%arg0, %add3A_60, %dma_wait3A] : memref<2x10240x128xf32, #tpu.memory_space<hbm>> -> memref<1x128x128xf32, #tpu.memory_space<hbm>>
      %dma_wait3A_69 = tpu.memref_squeeze %dma_wait3A_68 : memref<1x128x128xf32, #tpu.memory_space<hbm>> -> memref<128x128xf32, #tpu.memory_space<hbm>>
      %dma_wait3A_70 = arith.constant 0 : i32
      %dma_wait3A_71 = tpu.memref_slice %arg8[%arg0, %add3A_60, %dma_wait3A_70] : memref<2x10240x128xf32, #tpu.memory_space<hbm>> -> memref<1x128x128xf32, #tpu.memory_space<hbm>>
      %dma_wait3A_72 = tpu.memref_squeeze %dma_wait3A_71 : memref<1x128x128xf32, #tpu.memory_space<hbm>> -> memref<128x128xf32, #tpu.memory_space<hbm>>
      tpu.wait_dma2 semaphore(%run_scoped3A : memref<!tpu.dma_semaphore, #tpu.memory_space<semaphore_mem>>) src(%arg12 : memref<128x128xf32, #tpu.memory_space<vmem>>) dst(%dma_wait3A_72 : memref<128x128xf32, #tpu.memory_space<hbm>>)
      tpu.yield
    }) : () -> ()
    %add3A_61 = arith.constant 512 : i32
    %add3A_62 = arith.addi %mul3A_2, %add3A_61 : i32
    "tpu.region"() ({
      %run_scoped3A = tpu.sem_alloc : memref<!tpu.dma_semaphore, #tpu.memory_space<semaphore_mem>>
      %dma_start3A = arith.constant 0 : i32
      %dma_start3A_63 = tpu.memref_slice %arg9[%add3A_62, %dma_start3A] : memref<10240x128xf32, #tpu.memory_space<vmem_shared>> -> memref<128x128xf32, #tpu.memory_space<vmem_shared>>
      %dma_start3A_64 = arith.constant 0 : i32
      %dma_start3A_65 = tpu.memref_slice %arg9[%add3A_62, %dma_start3A_64] : memref<10240x128xf32, #tpu.memory_space<vmem_shared>> -> memref<128x128xf32, #tpu.memory_space<vmem_shared>>
      tpu.enqueue_dma source(%dma_start3A_65 : memref<128x128xf32, #tpu.memory_space<vmem_shared>>) target(%arg12 : memref<128x128xf32, #tpu.memory_space<vmem>>) target_semaphore(%run_scoped3A : memref<!tpu.dma_semaphore, #tpu.memory_space<semaphore_mem>>)
      %dma_wait3A = arith.constant 0 : i32
      %dma_wait3A_66 = tpu.memref_slice %arg9[%add3A_62, %dma_wait3A] : memref<10240x128xf32, #tpu.memory_space<vmem_shared>> -> memref<128x128xf32, #tpu.memory_space<vmem_shared>>
      %dma_wait3A_67 = arith.constant 0 : i32
      %dma_wait3A_68 = tpu.memref_slice %arg9[%add3A_62, %dma_wait3A_67] : memref<10240x128xf32, #tpu.memory_space<vmem_shared>> -> memref<128x128xf32, #tpu.memory_space<vmem_shared>>
      tpu.wait_dma2 semaphore(%run_scoped3A : memref<!tpu.dma_semaphore, #tpu.memory_space<semaphore_mem>>) src(%dma_wait3A_68 : memref<128x128xf32, #tpu.memory_space<vmem_shared>>) dst(%arg12 : memref<128x128xf32, #tpu.memory_space<vmem>>)
      tpu.yield
    }) : () -> ()
    "tpu.region"() ({
      %run_scoped3A = tpu.sem_alloc : memref<!tpu.dma_semaphore, #tpu.memory_space<semaphore_mem>>
      %dma_start3A = arith.constant 0 : i32
      %dma_start3A_63 = tpu.memref_slice %arg8[%arg0, %add3A_62, %dma_start3A] : memref<2x10240x128xf32, #tpu.memory_space<hbm>> -> memref<1x128x128xf32, #tpu.memory_space<hbm>>
      %dma_start3A_64 = tpu.memref_squeeze %dma_start3A_63 : memref<1x128x128xf32, #tpu.memory_space<hbm>> -> memref<128x128xf32, #tpu.memory_space<hbm>>
      %dma_start3A_65 = arith.constant 0 : i32
      %dma_start3A_66 = tpu.memref_slice %arg8[%arg0, %add3A_62, %dma_start3A_65] : memref<2x10240x128xf32, #tpu.memory_space<hbm>> -> memref<1x128x128xf32, #tpu.memory_space<hbm>>
      %dma_start3A_67 = tpu.memref_squeeze %dma_start3A_66 : memref<1x128x128xf32, #tpu.memory_space<hbm>> -> memref<128x128xf32, #tpu.memory_space<hbm>>
      tpu.enqueue_dma source(%arg12 : memref<128x128xf32, #tpu.memory_space<vmem>>) target(%dma_start3A_67 : memref<128x128xf32, #tpu.memory_space<hbm>>) target_semaphore(%run_scoped3A : memref<!tpu.dma_semaphore, #tpu.memory_space<semaphore_mem>>)
      %dma_wait3A = arith.constant 0 : i32
      %dma_wait3A_68 = tpu.memref_slice %arg8[%arg0, %add3A_62, %dma_wait3A] : memref<2x10240x128xf32, #tpu.memory_space<hbm>> -> memref<1x128x128xf32, #tpu.memory_space<hbm>>
      %dma_wait3A_69 = tpu.memref_squeeze %dma_wait3A_68 : memref<1x128x128xf32, #tpu.memory_space<hbm>> -> memref<128x128xf32, #tpu.memory_space<hbm>>
      %dma_wait3A_70 = arith.constant 0 : i32
      %dma_wait3A_71 = tpu.memref_slice %arg8[%arg0, %add3A_62, %dma_wait3A_70] : memref<2x10240x128xf32, #tpu.memory_space<hbm>> -> memref<1x128x128xf32, #tpu.memory_space<hbm>>
      %dma_wait3A_72 = tpu.memref_squeeze %dma_wait3A_71 : memref<1x128x128xf32, #tpu.memory_space<hbm>> -> memref<128x128xf32, #tpu.memory_space<hbm>>
      tpu.wait_dma2 semaphore(%run_scoped3A : memref<!tpu.dma_semaphore, #tpu.memory_space<semaphore_mem>>) src(%arg12 : memref<128x128xf32, #tpu.memory_space<vmem>>) dst(%dma_wait3A_72 : memref<128x128xf32, #tpu.memory_space<hbm>>)
      tpu.yield
    }) : () -> ()
    return
  }
}

module attributes {stable_mosaic.version = 14 : i64} {
  func.func @_combine_body(%arg0: i32, %arg1: memref<2x400x128xf32, #tpu.memory_space<vmem>>, %arg2: memref<2x400x128xf32, #tpu.memory_space<vmem>>, %arg3: memref<400x128xf32, #tpu.memory_space<vmem>>) attributes {dimension_semantics = [#tpu.dimension_semantics<arbitrary>], iteration_bounds = array<i64: 25>, scalar_prefetch = 0 : i64, scratch_operands = 0 : i64, tpu.core_type = #tpu.core_type<tc>, window_params = [{transform_indices = @transform_0, window_bounds = array<i64: 2, 400, 128>}, {transform_indices = @transform_1, window_bounds = array<i64: 2, 400, 128>}, {transform_indices = @transform_2, window_bounds = array<i64: 400, 128>}]} {
    %get3A = arith.constant 0 : index
    %get3A_0 = arith.constant 0 : index
    %get3A_1 = arith.constant 0 : index
    %get3A_2 = vector.load %arg1[%get3A, %get3A_0, %get3A_1] : memref<2x400x128xf32, #tpu.memory_space<vmem>>, vector<1x400x128xf32>
    %get3A_3 = vector.shape_cast %get3A_2 : vector<1x400x128xf32> to vector<400x128xf32>
    %get3A_4 = arith.constant 1 : index
    %get3A_5 = arith.constant 0 : index
    %get3A_6 = arith.constant 0 : index
    %get3A_7 = vector.load %arg1[%get3A_4, %get3A_5, %get3A_6] : memref<2x400x128xf32, #tpu.memory_space<vmem>>, vector<1x400x128xf32>
    %get3A_8 = vector.shape_cast %get3A_7 : vector<1x400x128xf32> to vector<400x128xf32>
    %add3A = arith.addf %get3A_3, %get3A_8 : vector<400x128xf32>
    %get3A_9 = arith.constant 0 : index
    %get3A_10 = arith.constant 0 : index
    %get3A_11 = arith.constant 0 : index
    %get3A_12 = vector.load %arg2[%get3A_9, %get3A_10, %get3A_11] : memref<2x400x128xf32, #tpu.memory_space<vmem>>, vector<1x400x128xf32>
    %get3A_13 = vector.shape_cast %get3A_12 : vector<1x400x128xf32> to vector<400x128xf32>
    %get3A_14 = arith.constant 1 : index
    %get3A_15 = arith.constant 0 : index
    %get3A_16 = arith.constant 0 : index
    %get3A_17 = vector.load %arg2[%get3A_14, %get3A_15, %get3A_16] : memref<2x400x128xf32, #tpu.memory_space<vmem>>, vector<1x400x128xf32>
    %get3A_18 = vector.shape_cast %get3A_17 : vector<1x400x128xf32> to vector<400x128xf32>
    %add3A_19 = arith.addf %get3A_13, %get3A_18 : vector<400x128xf32>
    %max3A = arith.constant 1.000000e+00 : f32
    %max3A_20 = vector.broadcast %max3A : f32 to vector<400x128xf32>
    %max3A_21 = arith.maximumf %add3A_19, %max3A_20 : vector<400x128xf32>
    %div3A = arith.divf %add3A, %max3A_21 : vector<400x128xf32>
    %swap3A = arith.constant 0 : index
    %swap3A_22 = arith.constant 0 : index
    %swap3A_23 = vector.load %arg3[%swap3A, %swap3A_22] : memref<400x128xf32, #tpu.memory_space<vmem>>, vector<400x128xf32>
    tpu.vector_store %arg3[%swap3A, %swap3A_22], %div3A {strides = array<i32>} : memref<400x128xf32, #tpu.memory_space<vmem>>, vector<400x128xf32>,
    return
  }
  func.func @transform_0(%arg0: i32) -> (i32, i32, i32) {
    %c0_i32 = arith.constant 0 : i32
    %c0_i32_0 = arith.constant 0 : i32
    %c0_i32_1 = arith.constant 0 : i32
    return %c0_i32, %arg0, %c0_i32_0 : i32, i32, i32
  }
  func.func @transform_1(%arg0: i32) -> (i32, i32, i32) {
    %c0_i32 = arith.constant 0 : i32
    %c0_i32_0 = arith.constant 0 : i32
    %c0_i32_1 = arith.constant 0 : i32
    return %c0_i32, %arg0, %c0_i32_0 : i32, i32, i32
  }
  func.func @transform_2(%arg0: i32) -> (i32, i32) {
    %c0_i32 = arith.constant 0 : i32
    %c0_i32_0 = arith.constant 0 : i32
    return %arg0, %c0_i32 : i32, i32
  }
}

</mosaic_0001>

<sc_bundles>
// kernel: kernel.4.cloned.1.call-start
scs
__scs_entry_jumppad:
0x0: {  	(pc) =	sbr.rel $0x88, $3  }
0x1: {  	(tag) =	ssettag $0x0;
	lr =	simm.s32 $0x1  }
0x2: {  	[smem:$0x3F9F] =	sst lr;
	_ =	strace $0xD0000000  }
0x3: {  	_ = 	snop  }
0x4: {  	_ = 	snop  }
0x5: {  	_ = 	snop  }
0x6: {  	_ = 	snop  }
0x7: {  	_ = 	snop  }
__scs_overlays_trampoline_lowered:
0x8: {  	[smem:$0x3FAE] =	sst s0  }
0x9: {  	[smem:$0x3FAF] =	sst s1  }
0xa: {  	[smem:$0x3FB0] =	sst s2  }
0xb: {  	[smem:$0x3FB1] =	sst s3  }
0xc: {  	[smem:$0x3FB2] =	sst s4  }
0xd: {  	[smem:$0x3FB3] =	sst s5  }
0xe: {  	[smem:$0x3FB4] =	sst s6  }
0xf: {  	[smem:$0x3FB5] =	sst s7  }
0x10: {  	[smem:$0x3FB6] =	sst s8  }
0x11: {  	[smem:$0x3FB7] =	sst s9;
	s0 =	simm.s32 @!p0 $0x0  }
0x12: {  	s1 =	sld [smem:$0x3F9D];
	s0 =	simm.s32 @p0 $0x1  }
0x13: {  	[smem:$0x3FB8] =	sst s0;
	s0 =	simm.s32 @!p1 $0x0  }
0x14: {  	s2 =	sld [smem:$0x3F9C];
	s0 =	simm.s32 @p1 $0x1  }
0x15: {  	[smem:$0x3FB9] =	sst s0;
	s0 =	simm.s32 @!p2 $0x0  }
0x16: {  	s3 =	sld [smem:$0x3FDB];
	s0 =	simm.s32 @p2 $0x1  }
0x17: {  	s4 =	simm.s32 $0x1BF5;
	[smem:$0x3FBB] =	sst s0  }
0x18: {  	s0 =	sld [smem:$0x3F9E];
	_ =	swait.ge [sflag:s4], $0x0  }
0x19: {  	s7 =	sld [smem:$0x3F9F]  }
0x1a: {  	s8 =	sadd.s32 $0xFFFFE003, lr  }
0x1b: {  	s9 =	sadd.s32 $0xFFFFFEF7, lr;
	s5 =	simm.s32 $0xFFFFFFFF;
	p2 =	slt.u32 s8, $0xFFFFF086  }
0x1c: {  	p1 =	slt.u32 s9, $0xF7A;
	s5 =	simm.s32 @!p2 $0x0  }
0x1d: {  	s5 =	simm.s32 @p1 $0x1;
	p0 =	seq.s32 s7, s2  }
0x1e: {  	s7 =	smul.u32 @!p0 $0xF7A, s2;
	p2 =	seq.s32 @!p0 s5, $0x0  }
0x1f: {  	s9 =	smul.u32 $0xF7A, s1;
	s8 =	simm.s32 @!p0 $0x1BF5;
	p2 =	por !p2, p0  }
0x20: {  	[sflag:s8] =	ssyncset.s32 @!p0 $0xFFFFF086;
	s6 =	sadd.s32 @!p0 s3, s7;
	s7 =	simm.s32 @!p0 $0x108  }
0x21: {  	s3 =	sadd.s32 s3, s9;
	s6 =	sadd.s32 @!p0 $0x88, s6;
	s7 =	simm.s32 @p2 $0x1082  }
0x22: {  	[simem:s7], [sflag:s8] =	dma.local @!p0 [hbm:s6], $0xF7A  }
0x23: {  	s9 =	sor.u32 $0xD0000000, s2;
	s6 =	simm.s32 $0x108;
	_ =	swait.ge @!p0 [sflag:s8], $0x0  }
0x24: {  	s3 =	sadd.s32 $0x88, s3;
	s6 =	simm.s32 @!p1 $0x1082;
	[sflag:s4] =	ssyncset.s32 $0xFFFFF086  }
0x25: {  	[simem:s6], [sflag:s4] =	dma.local [hbm:s3], $0xF7A  }
0x26: {  	[smem:$0x3F9F] =	sst s1;
	(tag) =	ssettag s2;
	_ =	strace s9  }
0x27: {  	s1 =	sld [smem:$0x3FAF]  }
0x28: {  	s2 =	sld [smem:$0x3FB0]  }
0x29: {  	s4 =	sld [smem:$0x3FB2]  }
0x2a: {  	p0 =	seq.s32 s5, $0x0;
	s5 =	sld [smem:$0x3FB3]  }
0x2b: {  	s6 =	sld [smem:$0x3FB4]  }
0x2c: {  	s7 =	sld [smem:$0x3FB5]  }
0x2d: {  	s3 =	simm.s32 $0x108;
	s8 =	sld [smem:$0x3FB6]  }
0x2e: {  	s3 =	simm.s32 @!p0 $0x1082;
	s9 =	sld [smem:$0x3FB7]  }
0x2f: {  	lr =	sadd.s32 s0, s3;
	s0 =	sld [smem:$0x3FAE]  }
0x30: {  	s3 =	sld [smem:$0x3FB1]  }
0x31: {  	[smem:$0x3FBA] =	sst s10  }
0x32: {  	s10 =	sld [smem:$0x3FB8];
	_ =	sdelay $0x3  }
0x33: {  	p0 =	seq.s32 s10, $0x1;
	s10 =	sld [smem:$0x3FBA];
	_ =	sdelay $0x3  }
0x34: {  	[smem:$0x3FBA] =	sst s10  }
0x35: {  	s10 =	sld [smem:$0x3FB9];
	_ =	sdelay $0x3  }
0x36: {  	p1 =	seq.s32 s10, $0x1;
	s10 =	sld [smem:$0x3FBA];
	_ =	sdelay $0x3  }
0x37: {  	[smem:$0x3FBA] =	sst s10  }
0x38: {  	s10 =	sld [smem:$0x3FBB]  }
0x39: {  	_ = 	snop;
	(pc) =	sbr.ind lr, $3  }
0x3a: {  	_ = 	snop  }
0x3b: {  	_ = 	snop  }
0x3c: {  	p2 =	seq.s32 s10, $0x1;
	s10 =	sld [smem:$0x3FBA]  }
0x3d: {  	_ =	shalt  }
0x3e: {  	_ =	shalt  }
0x3f: {  	_ =	shalt  }
0x40: {  	_ =	shalt  }
0x41: {  	_ =	shalt  }
0x42: {  	_ =	shalt  }
0x43: {  	_ =	shalt  }
0x44: {  	_ =	shalt  }
0x45: {  	_ =	shalt  }
0x46: {  	_ =	shalt  }
0x47: {  	_ =	shalt  }
0x48: {  	_ =	shalt  }
0x49: {  	_ =	shalt  }
0x4a: {  	_ =	shalt  }
0x4b: {  	_ =	shalt  }
0x4c: {  	_ =	shalt  }
0x4d: {  	_ =	shalt  }
0x4e: {  	_ =	shalt  }
0x4f: {  	_ =	shalt  }
0x50: {  	_ =	shalt  }
0x51: {  	_ =	shalt  }
0x52: {  	_ =	shalt  }
0x53: {  	_ =	shalt  }
0x54: {  	_ =	shalt  }
0x55: {  	_ =	shalt  }
0x56: {  	_ =	shalt  }
0x57: {  	_ =	shalt  }
0x58: {  	_ =	shalt  }
0x59: {  	_ =	shalt  }
0x5a: {  	_ =	shalt  }
0x5b: {  	_ =	shalt  }
0x5c: {  	_ =	shalt  }
0x5d: {  	_ =	shalt  }
0x5e: {  	_ =	shalt  }
0x5f: {  	_ =	shalt  }
0x60: {  	_ =	shalt  }
0x61: {  	_ =	shalt  }
0x62: {  	_ =	shalt  }
0x63: {  	_ =	shalt  }
0x64: {  	_ =	shalt  }
0x65: {  	_ =	shalt  }
0x66: {  	_ =	shalt  }
0x67: {  	_ =	shalt  }
0x68: {  	_ =	shalt  }
0x69: {  	_ =	shalt  }
0x6a: {  	_ =	shalt  }
0x6b: {  	_ =	shalt  }
0x6c: {  	_ =	shalt  }
0x6d: {  	_ =	shalt  }
0x6e: {  	_ =	shalt  }
0x6f: {  	_ =	shalt  }
0x70: {  	_ =	shalt  }
0x71: {  	_ =	shalt  }
0x72: {  	_ =	shalt  }
0x73: {  	_ =	shalt  }
0x74: {  	_ =	shalt  }
0x75: {  	_ =	shalt  }
0x76: {  	_ =	shalt  }
0x77: {  	_ =	shalt  }
0x78: {  	_ =	shalt  }
0x79: {  	_ =	shalt  }
0x7a: {  	_ =	shalt  }
0x7b: {  	_ =	shalt  }
0x7c: {  	_ =	shalt  }
0x7d: {  	_ =	shalt  }
0x7e: {  	_ =	shalt  }
0x7f: {  	_ =	shalt  }
0x80: {  	_ =	shalt  }
0x81: {  	_ =	shalt  }
0x82: {  	_ =	shalt  }
0x83: {  	_ =	shalt  }
0x84: {  	_ =	shalt  }
0x85: {  	_ =	shalt  }
0x86: {  	_ =	shalt  }
0x87: {  	_ =	shalt  }
.Lfunc_end0:
.L_simem_size_0:
called_computation_lowered:
.L_overlay_start_0:
0x88: {  	s2 =	sld [smem:$0x3FD9]  }
0x89: {  	s3 =	sld [smem:$0x3FFE];
	_ =	sdelay $0x1  }
0x8a: {  	s1 =	srdreg.scid  }
0x8b: {  	s0 =	sand.u32 $0x1, s1  }
0x8c: {  	s17 =	sshll.u32 s0, $0xA;
	s2 =	sadd.s32 s3, s2  }
0x8d: {  	s2 =	sadd.s32 s2, s17  }
0x8e: {  	[smem:$0x3FC6] =	sst s2  }
0x8f: {  	_ = 	snop  }
0x90: {  	s2 =	sld [smem:$0x3FC9]  }
0x91: {  	s18 =	sld [smem:$0x3FD0];
	(tm) =	ssettm $0x1  }
0x92: {  	s4 =	sld [smem:$0x3FFB];
	_ =	sdelay $0x3  }
0x93: {  	_ =	strace s4  }
0x94: {  	s4 =	sld [smem:$0x3FFC];
	_ =	sdelay $0x3  }
0x95: {  	_ =	strace s4  }
0x96: {  	s4 =	sld [smem:$0x3FFD];
	_ =	sdelay $0x3  }
0x97: {  	_ =	strace s4  }
0x98: {  	_ =	strace $0x8FFFFFFF  }
0x99: {  	s19 =	sld [smem:$0x3FDB];
	_ =	sdelay $0x1  }
0x9a: {  	s5 =	simm.s32 $_scs_section_size  }
0x9b: {  	s6 =	simm.s32 $_size__tile_overlayer_lowered;
	s7 =	simm.s32 $_tile_overlayer_lowered  }
0x9c: {  	s22 =	simm.s32 $0x1BFF;
	s21 =	sshll.u32 s7, $0x1;
	s4 =	sadd.s32 s5, s19  }
0x9d: {  	s8 =	simm.s32 $0x0;
	s20 =	sshll.u32 s6, $0x1;
	s6 =	sadd.s32 s21, s4  }
0x9e: {  	[timem:s8], [sflag:s22] =	dma.local [hbm:s6], s20  }
0x9f: {  	_ =	swait.ge [sflag:s22], s20  }
0xa0: {  	s5 =	ssub.s32 $0x0, s20;
	[sflag:s22] =	ssyncset.done $0x0  }
0xa1: {  	[sflag:s22] =	ssyncadd.s32 s5;
	_ =	sdelay $0x1  }
0xa2: {  	s23 =	simm.s32 $0x1B8B  }
0xa3: {  	_ =	swait.ge [sflag:s23], $0x1  }
0xa4: {  	[sflag:s23] =	ssyncset.done $0x0  }
0xa5: {  	s25 =	simm.s32 $0x1B8E;
	s24 =	sld [smem:$0x3FFE];
	[sflag:s23] =	ssyncadd.s32 $0xFFFFFFFF  }
0xa6: {  	s26 =	simm.s32 $execute0_lowered;
	[smem:$0x3FD2] =	sst s25  }
0xa7: {  	s6 =	sshll.u32 s26, $0x1;
	_ =	strace $0x80000046;
	[dreg:$0x1] =	wrdreg $0xFFFFFFFF  }
0xa8: {  	s28 =	simm.s32 $_size_execute0_lowered;
	s4 =	sadd.s32 s4, s6;
	[dreg:$0x0] =	wrdreg $0x0  }
0xa9: {  	s6 =	sshll.u32 s28, $0x1;
	[dreg:$0x2] =	wrdreg s4  }
0xaa: {  	[dreg:$0x3] =	wrdreg s6  }
0xab: {  	[dreg:$0x4] =	wrdreg $0xC0  }
0xac: {  	_ =	task [dreg:s8], $0x5FFFF  }
0xad: {  	[dreg:$0x1] =	wrdreg $0xFFFFFFFF  }
0xae: {  	[dreg:$0x0] =	wrdreg $0x60  }
0xaf: {  	[dreg:$0x2] =	wrdreg s2  }
0xb0: {  	[dreg:$0x3] =	wrdreg s18  }
0xb1: {  	[dreg:$0x4] =	wrdreg s24  }
0xb2: {  	[dreg:$0x5] =	wrdreg $0x0  }
0xb3: {  	[dreg:$0x6] =	wrdreg $0x9  }
0xb4: {  	_ =	task.clear_ibuf [dreg:s8], $0x7FFFF;
	_ =	strace $0x90000046  }
0xb5: {  	s29 =	simm.s32 $0x9;
	_ =	strace $0x80000048  }
0xb6: {  	_ =	swait.ge [sflag:s29], $0x1  }
0xb7: {  	[sflag:s29] =	ssyncadd.s32 $0xFFFFFFFF  }
0xb8: {  	_ =	strace $0x90000048  }
0xb9: {  	_ =	sfence  }
0xba: {  	s30 =	sld [smem:$0x0];
	_ =	sdelay $0x2  }
0xbb: {  	s31 =	sshll.u32 s1, $0xD;
	s1 =	sshrl.u32 s1, $0x2  }
0xbc: {  	s3 =	sand.u32 $0x4000, s31;
	s1 =	sadd.s32 s1, s30  }
0xbd: {  	s0 =	sor.u32 s3, s0;
	s1 =	sshll.u32 s1, $0x11  }
0xbe: {  	s0 =	sor.u32 s1, s0  }
0xbf: {  	s0 =	sadd.s32 $0x8F2B, s0  }
0xc0: {  	[sflag:s0] =	ssyncadd.remote.s32 $0x1  }
0xc1: {  	_ =	sfence.sel $0xFFFF  }
0xc2: {  	[dreg:$0x0] =	wrdreg $0xFFFFFFFF;
	(pc) =	sbr.abs _section_cstart, $3  }
0xc3: {  	[dreg:$0x1] =	wrdreg $0xFFFFFFFF  }
0xc4: {  	_ =	task.clear_ibuf [dreg:s8], $0x2FFFF;
	_ =	strace $0x9FFFFFFF  }
0xc5: {  	(tm) =	ssettm $0x7FFFFFFF  }
tec
execute0_lowered:
.L_overlay_start_1:
0x0: {  	(tag) =	ssettag $0x1  }
0x1: {  	s0 =	rddreg [dreg:$0x0]  }
0x2: {  	s1 =	rddreg [dreg:$0x1];
	s2 =	srdreg.scid  }
0x3: {  	s5 =	rddreg [dreg:$0x2];
	s9 =	stileid.u32  }
0x4: {  	s3 =	rddreg [dreg:$0x3];
	s4 =	simm.s32 $0x0;
	s28 =	simm.s32 $0x14100  }
0x5: {  	s29 =	simm.s32 $0x14000;
	s30 =	simm.s32 $0x14080;
	s7 =	smul.u32 $0x2780, s9  }
0x6: {  	s31 =	simm.s32 $0x80;
	s2 =	sand.u32 $0x1, s2;
	s26 =	smul.u32 $0x50000, s9  }
0x7: {  	[smem:$0x7FF] =	sst s4;
	s9 =	smul.u32 $0x14000, s9;
	s10 =	sadd.s32 $0xB000, s5  }
0x8: {  	s14 =	sadd.s32 $0x5B000, s5;
	s6 =	smul.u32 $0x27800, s2;
	s8 =	ssub.s32 $0x2, s2  }
0x9: {  	_ =	strace $0x80000047;
	s2 =	smul.u32 $0x140000, s2;
	s11 =	sshrl.u32 s8, $0x1  }
0xa: {  	s17 =	sshrl.u32 s26, $0x2;
	s18 =	sadd.s32 $0x4000, s9;
	s19 =	sadd.s32 $0x8000, s9  }
0xb: {  	s20 =	sadd.s32 $0xC000, s9;
	s21 =	sadd.s32 $0x10000, s9;
	s6 =	sadd.s32 s7, s6  }
0xc: {  	s22 =	ssub.s32 s8, s11;
	s12 =	sadd.s32 s9, s2;
	s13 =	sadd.s32 s2, s18  }
0xd: {  	s16 =	sadd.s32 s2, s19;
	s24 =	sadd.s32 s2, s20;
	s2 =	sadd.s32 s2, s21  }
0xe: {  	s17 =	sadd.s32 s17, s3;
	s18 =	sadd.s32 s18, s3;
	s19 =	sadd.s32 s19, s3  }
0xf: {  	s20 =	sadd.s32 s20, s3;
	s21 =	sadd.s32 s21, s3;
	s6 =	sshrl.u32 s6, $0x3  }
0x10: {  	s11 =	sshrl.u32 s12, $0x3;
	s12 =	sshrl.u32 s13, $0x3;
	s13 =	sshrl.u32 s16, $0x3  }
0x11: {  	s2 =	sshrl.u32 s2, $0x3;
	s16 =	sadd.s32 $0xA000, s5;
	s15 =	sadd.s32 s10, s11  }
0x12: {  	s22 =	smax.u32 s22, $0x1;
	s7 =	sadd.s32 s10, s12;
	[dreg:$0x5] =	wrdreg s15  }
0x13: {  	s23 =	sadd.s32 s6, s5;
	s26 =	sadd.s32 s10, s2;
	[dreg:$0x6] =	wrdreg s7  }
0x14: {  	s15 =	sshrl.u32 s24, $0x3;
	s7 =	sadd.s32 s10, s13;
	[dreg:$0x9] =	wrdreg s26  }
0x15: {  	s23 =	sadd.s32 $0x200, s23;
	s24 =	sadd.s32 s6, s1;
	s26 =	simm.s32 $0x2  }
0x16: {  	s1 =	simm.s32 $0x0;
	[dreg:$0x7] =	wrdreg s7;
	s25 =	sadd.s32 s10, s15  }
0x17: {  	s10 =	sadd.s32 s14, s11;
	s11 =	sadd.s32 s14, s12;
	s12 =	sadd.s32 s14, s13  }
0x18: {  	s13 =	sadd.s32 s14, s15;
	s14 =	sadd.s32 s14, s2;
	s15 =	sadd.s32 $0xA800, s5  }
0x19: {  	s2 =	simm.s32 $0x1;
	[dreg:$0x8] =	wrdreg s25;
	s25 =	simm.s32 $0x18100  }
.LBB2_1:
0x1a: {  	[tilespmem:s25], [sflag:$0x2] =	stream.linear.gather [hbm4b:s16+s4], $0x4000, $0x38;
	[tilespmem:$0x1C100] =	vst v63  }
0x1b: {  	_ =	swait.ge [sflag:s26], $0x4000  }
0x1c: {  	[sflag:s26] =	ssyncset.done $0x0  }
0x1d: {  	[sflag:s26] =	ssyncadd.s32 $0xFFFFC000  }
0x1e: {  	[tilespmem:s28], [sflag:$0x2] =	stream.linear.gather [hbm4b:s15+s4], $0x4000, $0x38;
	[tilespmem:$0x1C100] =	vst v63  }
0x1f: {  	_ =	swait.ge [sflag:s26], $0x4000  }
0x20: {  	[sflag:s26] =	ssyncset.done $0x0  }
0x21: {  	[sflag:s26] =	ssyncadd.s32 $0xFFFFC000  }
0x22: {  	[spmem:s17] =	stream.linear.scatter [tilespmem:s28], [sflag:$0x2], $0x4000, $0x38;
	[tilespmem:$0x1C100] =	vst v63  }
0x23: {  	_ =	swait.ge [sflag:s26], $0x4000  }
0x24: {  	[sflag:s26] =	ssyncset.done $0x0  }
0x25: {  	[sflag:s26] =	ssyncadd.s32 $0xFFFFC000  }
0x26: {  	[spmem:s18] =	stream.linear.scatter [tilespmem:s28], [sflag:$0x2], $0x4000, $0x38;
	[tilespmem:$0x1C100] =	vst v63  }
0x27: {  	_ =	swait.ge [sflag:s26], $0x4000  }
0x28: {  	[sflag:s26] =	ssyncset.done $0x0  }
0x29: {  	[sflag:s26] =	ssyncadd.s32 $0xFFFFC000  }
0x2a: {  	[spmem:s19] =	stream.linear.scatter [tilespmem:s28], [sflag:$0x2], $0x4000, $0x38;
	[tilespmem:$0x1C100] =	vst v63  }
0x2b: {  	_ =	swait.ge [sflag:s26], $0x4000  }
0x2c: {  	[sflag:s26] =	ssyncset.done $0x0  }
0x2d: {  	[sflag:s26] =	ssyncadd.s32 $0xFFFFC000  }
0x2e: {  	[spmem:s20] =	stream.linear.scatter [tilespmem:s28], [sflag:$0x2], $0x4000, $0x38;
	[tilespmem:$0x1C100] =	vst v63  }
0x2f: {  	_ =	swait.ge [sflag:s26], $0x4000  }
0x30: {  	[sflag:s26] =	ssyncset.done $0x0  }
0x31: {  	[sflag:s26] =	ssyncadd.s32 $0xFFFFC000  }
0x32: {  	[spmem:s21] =	stream.linear.scatter [tilespmem:s28], [sflag:$0x2], $0x4000, $0x38;
	[tilespmem:$0x1C100] =	vst v63  }
0x33: {  	_ =	swait.ge [sflag:s26], $0x4000  }
0x34: {  	[sflag:s26] =	ssyncset.done $0x0  }
0x35: {  	[sflag:s26] =	ssyncadd.s32 $0xFFFFC000  }
0x36: {  	s5 =	sadd.s32 $0x0, s24;
	[bflag:$0x0] =	sbarrier.arrive $0xFFFF  }
0x37: {  	[tilespmem:s29], [sflag:$0x2] =	stream.linear.gather [hbm4b:s5+s4], $0x80, $0x38;
	[tilespmem:$0x1C100] =	vst v63  }
0x38: {  	_ =	swait.ge [sflag:s26], $0x80  }
0x39: {  	[sflag:s26] =	ssyncset.done $0x0  }
0x3a: {  	s9 =	sadd.s32 $0x0, s23;
	[sflag:s26] =	ssyncadd.s32 $0xFFFFFF80  }
0x3b: {  	[tilespmem:s30], [sflag:$0x2] =	stream.linear.gather [hbm4b:s9+s4], $0x80, $0x38;
	[tilespmem:$0x1C100] =	vst v63  }
0x3c: {  	_ =	swait.ge [sflag:s26], $0x80  }
0x3d: {  	[sflag:s26] =	ssyncset.done $0x0  }
0x3e: {  	[sflag:s26] =	ssyncadd.s32 $0xFFFFFF80  }
0x3f: {  	[tilespmem:s28], [sflag:$0x1] =	stream.indirect.gather [hbm4b:s0+s31], $0x80, s29, s31, $0xb8;
	[tilespmem:$0x1C100] =	vst v63  }
0x40: {  	_ =	swait.ge [sflag:s2], $0x4000  }
0x41: {  	[sflag:s2] =	ssyncset.done $0x0  }
0x42: {  	[sflag:s2] =	ssyncadd.s32 $0xFFFFC000  }
0x43: {  	[spmem:s3] =	stream.indirect.scatter.add.f32 [tilespmem:s28], [sflag:$0x2], $0x80, s30, s31, $0xb8;
	[tilespmem:$0x1C100] =	vst v63  }
0x44: {  	_ =	swait.ge [sflag:s26], $0x4000  }
0x45: {  	s6 =	simm.s32 $0x20;
	s5 =	simm.s32 $0x10;
	[sflag:s26] =	ssyncset.done $0x0  }
.LBB2_2:
0x46: {  	s7 =	sadd.s32 s5, s24  }
0x47: {  	[sflag:s26] =	ssyncadd.s32 $0xFFFFC000;
	s8 =	smov.u32 s6;
	s9 =	sadd.s32 $0x10, s6  }
0x48: {  	[tilespmem:s29], [sflag:$0x2] =	stream.linear.gather [hbm4b:s7+s4], $0x80, $0x38;
	[tilespmem:$0x1C100] =	vst v63  }
0x49: {  	p0 =	sne.s32 s6, $0x4E0;
	_ =	swait.ge [sflag:s26], $0x80  }
0x4a: {  	[sflag:s26] =	ssyncset.done $0x0  }
0x4b: {  	s6 =	sadd.s32 s5, s23;
	s5 =	smov.u32 s8;
	[sflag:s26] =	ssyncadd.s32 $0xFFFFFF80  }
0x4c: {  	[tilespmem:s30], [sflag:$0x2] =	stream.linear.gather [hbm4b:s6+s4], $0x80, $0x38;
	[tilespmem:$0x1C100] =	vst v63  }
0x4d: {  	_ =	swait.ge [sflag:s26], $0x80  }
0x4e: {  	[sflag:s26] =	ssyncset.done $0x0  }
0x4f: {  	[sflag:s26] =	ssyncadd.s32 $0xFFFFFF80  }
0x50: {  	[tilespmem:s28], [sflag:$0x1] =	stream.indirect.gather [hbm4b:s0+s31], $0x80, s29, s31, $0xb8;
	[tilespmem:$0x1C100] =	vst v63  }
0x51: {  	_ =	swait.ge [sflag:s2], $0x4000  }
.Ltmp0:
0x52: {  	[sflag:s2] =	ssyncset.done $0x0;
	(pc) =	sbr.rel @p0 .LBB2_2-.Ltmp0, $4  }
0x53: {  	[sflag:s2] =	ssyncadd.s32 $0xFFFFC000  }
0x54: {  	[spmem:s3] =	stream.indirect.scatter.add.f32 [tilespmem:s28], [sflag:$0x2], $0x80, s30, s31, $0xb8;
	[tilespmem:$0x1C100] =	vst v63  }
0x55: {  	_ =	swait.ge [sflag:s26], $0x4000  }
0x56: {  	s6 =	smov.u32 s9;
	[sflag:s26] =	ssyncset.done $0x0  }
0x57: {  	s6 =	sadd.s32 s5, s24;
	[sflag:s26] =	ssyncadd.s32 $0xFFFFC000  }
0x58: {  	[tilespmem:s29], [sflag:$0x2] =	stream.linear.gather [hbm4b:s6+s4], $0x80, $0x38;
	[tilespmem:$0x1C100] =	vst v63  }
0x59: {  	_ =	swait.ge [sflag:s26], $0x80  }
0x5a: {  	[sflag:s26] =	ssyncset.done $0x0  }
0x5b: {  	s6 =	sadd.s32 s5, s23;
	[sflag:s26] =	ssyncadd.s32 $0xFFFFFF80  }
0x5c: {  	[tilespmem:s30], [sflag:$0x2] =	stream.linear.gather [hbm4b:s6+s4], $0x80, $0x38;
	[tilespmem:$0x1C100] =	vst v63  }
0x5d: {  	_ =	swait.ge [sflag:s26], $0x80  }
0x5e: {  	[sflag:s26] =	ssyncset.done $0x0  }
0x5f: {  	[sflag:s26] =	ssyncadd.s32 $0xFFFFFF80  }
0x60: {  	[tilespmem:s28], [sflag:$0x1] =	stream.indirect.gather [hbm4b:s0+s31], $0x80, s29, s31, $0xb8;
	[tilespmem:$0x1C100] =	vst v63  }
0x61: {  	_ =	swait.ge [sflag:s2], $0x4000  }
0x62: {  	[sflag:s2] =	ssyncset.done $0x0  }
0x63: {  	[sflag:s2] =	ssyncadd.s32 $0xFFFFC000  }
0x64: {  	[spmem:s3] =	stream.indirect.scatter.add.f32 [tilespmem:s28], [sflag:$0x2], $0x80, s30, s31, $0xb8;
	[tilespmem:$0x1C100] =	vst v63  }
0x65: {  	_ =	swait.ge [sflag:s26], $0x4000  }
0x66: {  	[sflag:s26] =	ssyncset.done $0x0  }
0x67: {  	[sflag:s26] =	ssyncadd.s32 $0xFFFFC000  }
0x68: {  	[bflag:$0x0] =	sbarrier.arrive $0xFFFF  }
0x69: {  	[tilespmem:s28], [sflag:$0x2] =	stream.linear.gather [spmem:s17], $0x4000, $0x38;
	[tilespmem:$0x1C100] =	vst v63  }
0x6a: {  	_ =	swait.ge [sflag:s26], $0x4000  }
0x6b: {  	[sflag:s26] =	ssyncset.done $0x0  }
0x6c: {  	s5 =	simm.s32 $0x0;
	s7 =	rddreg [dreg:$0x5];
	[sflag:s26] =	ssyncadd.s32 $0xFFFFC000  }
0x6d: {  	[hbm4b:s7+s5] =	stream.linear.scatter [tilespmem:s28], [sflag:$0x2], $0x4000, $0x38;
	[tilespmem:$0x1C100] =	vst v63  }
0x6e: {  	_ =	swait.ge [sflag:s26], $0x4000  }
0x6f: {  	[sflag:s26] =	ssyncset.done $0x0  }
0x70: {  	[sflag:s26] =	ssyncadd.s32 $0xFFFFC000  }
0x71: {  	[tilespmem:s28], [sflag:$0x2] =	stream.linear.gather [spmem:s18], $0x4000, $0x38;
	[tilespmem:$0x1C100] =	vst v63  }
0x72: {  	_ =	swait.ge [sflag:s26], $0x4000  }
0x73: {  	[sflag:s26] =	ssyncset.done $0x0  }
0x74: {  	s8 =	rddreg [dreg:$0x6];
	[sflag:s26] =	ssyncadd.s32 $0xFFFFC000  }
0x75: {  	[hbm4b:s8+s5] =	stream.linear.scatter [tilespmem:s28], [sflag:$0x2], $0x4000, $0x38;
	[tilespmem:$0x1C100] =	vst v63  }
0x76: {  	_ =	swait.ge [sflag:s26], $0x4000  }
0x77: {  	[sflag:s26] =	ssyncset.done $0x0  }
0x78: {  	[sflag:s26] =	ssyncadd.s32 $0xFFFFC000  }
0x79: {  	[tilespmem:s28], [sflag:$0x2] =	stream.linear.gather [spmem:s19], $0x4000, $0x38;
	[tilespmem:$0x1C100] =	vst v63  }
0x7a: {  	_ =	swait.ge [sflag:s26], $0x4000  }
0x7b: {  	[sflag:s26] =	ssyncset.done $0x0  }
0x7c: {  	s9 =	rddreg [dreg:$0x7];
	[sflag:s26] =	ssyncadd.s32 $0xFFFFC000  }
0x7d: {  	[hbm4b:s9+s5] =	stream.linear.scatter [tilespmem:s28], [sflag:$0x2], $0x4000, $0x38;
	[tilespmem:$0x1C100] =	vst v63  }
0x7e: {  	_ =	swait.ge [sflag:s26], $0x4000  }
0x7f: {  	[sflag:s26] =	ssyncset.done $0x0  }
0x80: {  	[sflag:s26] =	ssyncadd.s32 $0xFFFFC000  }
0x81: {  	[tilespmem:s28], [sflag:$0x2] =	stream.linear.gather [spmem:s20], $0x4000, $0x38;
	[tilespmem:$0x1C100] =	vst v63  }
0x82: {  	_ =	swait.ge [sflag:s26], $0x4000  }
0x83: {  	[sflag:s26] =	ssyncset.done $0x0  }
0x84: {  	s7 =	rddreg [dreg:$0x8];
	[sflag:s26] =	ssyncadd.s32 $0xFFFFC000  }
0x85: {  	[hbm4b:s7+s5] =	stream.linear.scatter [tilespmem:s28], [sflag:$0x2], $0x4000, $0x38;
	[tilespmem:$0x1C100] =	vst v63  }
0x86: {  	_ =	swait.ge [sflag:s26], $0x4000  }
0x87: {  	[sflag:s26] =	ssyncset.done $0x0  }
0x88: {  	[sflag:s26] =	ssyncadd.s32 $0xFFFFC000  }
0x89: {  	[tilespmem:s28], [sflag:$0x2] =	stream.linear.gather [spmem:s21], $0x4000, $0x38;
	[tilespmem:$0x1C100] =	vst v63  }
0x8a: {  	_ =	swait.ge [sflag:s26], $0x4000  }
0x8b: {  	[sflag:s26] =	ssyncset.done $0x0  }
0x8c: {  	s8 =	rddreg [dreg:$0x9];
	[sflag:s26] =	ssyncadd.s32 $0xFFFFC000  }
0x8d: {  	[hbm4b:s8+s5] =	stream.linear.scatter [tilespmem:s28], [sflag:$0x2], $0x4000, $0x38;
	[tilespmem:$0x1C100] =	vst v63  }
0x8e: {  	_ =	swait.ge [sflag:s26], $0x4000  }
0x8f: {  	[sflag:s26] =	ssyncset.done $0x0  }
0x90: {  	[sflag:s26] =	ssyncadd.s32 $0xFFFFC000  }
0x91: {  	[tilespmem:s28], [sflag:$0x2] =	stream.linear.gather [hbm4b:s15+s5], $0x4000, $0x38;
	[tilespmem:$0x1C100] =	vst v63  }
0x92: {  	_ =	swait.ge [sflag:s26], $0x4000  }
0x93: {  	[sflag:s26] =	ssyncset.done $0x0  }
0x94: {  	[sflag:s26] =	ssyncadd.s32 $0xFFFFC000  }
0x95: {  	[spmem:s17] =	stream.linear.scatter [tilespmem:s28], [sflag:$0x2], $0x4000, $0x38;
	[tilespmem:$0x1C100] =	vst v63  }
0x96: {  	_ =	swait.ge [sflag:s26], $0x4000  }
0x97: {  	[sflag:s26] =	ssyncset.done $0x0  }
0x98: {  	[sflag:s26] =	ssyncadd.s32 $0xFFFFC000  }
0x99: {  	[spmem:s18] =	stream.linear.scatter [tilespmem:s28], [sflag:$0x2], $0x4000, $0x38;
	[tilespmem:$0x1C100] =	vst v63  }
0x9a: {  	_ =	swait.ge [sflag:s26], $0x4000  }
0x9b: {  	[sflag:s26] =	ssyncset.done $0x0  }
0x9c: {  	[sflag:s26] =	ssyncadd.s32 $0xFFFFC000  }
0x9d: {  	[spmem:s19] =	stream.linear.scatter [tilespmem:s28], [sflag:$0x2], $0x4000, $0x38;
	[tilespmem:$0x1C100] =	vst v63  }
0x9e: {  	_ =	swait.ge [sflag:s26], $0x4000  }
0x9f: {  	[sflag:s26] =	ssyncset.done $0x0  }
0xa0: {  	[sflag:s26] =	ssyncadd.s32 $0xFFFFC000  }
0xa1: {  	[spmem:s20] =	stream.linear.scatter [tilespmem:s28], [sflag:$0x2], $0x4000, $0x38;
	[tilespmem:$0x1C100] =	vst v63  }
0xa2: {  	_ =	swait.ge [sflag:s26], $0x4000  }
0xa3: {  	[sflag:s26] =	ssyncset.done $0x0  }
0xa4: {  	[sflag:s26] =	ssyncadd.s32 $0xFFFFC000  }
0xa5: {  	[spmem:s21] =	stream.linear.scatter [tilespmem:s28], [sflag:$0x2], $0x4000, $0x38;
	[tilespmem:$0x1C100] =	vst v63  }
0xa6: {  	_ =	swait.ge [sflag:s26], $0x4000  }
0xa7: {  	[sflag:s26] =	ssyncset.done $0x0  }
0xa8: {  	[sflag:s26] =	ssyncadd.s32 $0xFFFFC000  }
0xa9: {  	s9 =	sadd.s32 $0x0, s23;
	[bflag:$0x0] =	sbarrier.arrive $0xFFFF  }
0xaa: {  	[tilespmem:s30], [sflag:$0x2] =	stream.linear.gather [hbm4b:s9+s4], $0x80, $0x38;
	[tilespmem:$0x1C100] =	vst v63  }
0xab: {  	_ =	swait.ge [sflag:s26], $0x80  }
0xac: {  	[sflag:s26] =	ssyncset.done $0x0  }
0xad: {  	[sflag:s26] =	ssyncadd.s32 $0xFFFFFF80  }
0xae: {  	[spmem:s3] =	stream.indirect.scatter.add.f32 [tilespmem:s25], [sflag:$0x2], $0x80, s30, s31, $0xb8;
	[tilespmem:$0x1C100] =	vst v63  }
0xaf: {  	_ =	swait.ge [sflag:s26], $0x4000  }
0xb0: {  	s6 =	simm.s32 $0x20;
	s5 =	simm.s32 $0x10;
	[sflag:s26] =	ssyncset.done $0x0  }
.LBB2_4:
0xb1: {  	s7 =	sadd.s32 s5, s23  }
0xb2: {  	[sflag:s26] =	ssyncadd.s32 $0xFFFFC000;
	s5 =	smov.u32 s6;
	s8 =	sadd.s32 $0x10, s6  }
0xb3: {  	[tilespmem:s30], [sflag:$0x2] =	stream.linear.gather [hbm4b:s7+s4], $0x80, $0x38;
	[tilespmem:$0x1C100] =	vst v63  }
0xb4: {  	p0 =	sne.s32 s6, $0x4E0;
	_ =	swait.ge [sflag:s26], $0x80  }
.Ltmp1:
0xb5: {  	[sflag:s26] =	ssyncset.done $0x0;
	(pc) =	sbr.rel @p0 .LBB2_4-.Ltmp1, $4  }
0xb6: {  	[sflag:s26] =	ssyncadd.s32 $0xFFFFFF80  }
0xb7: {  	[spmem:s3] =	stream.indirect.scatter.add.f32 [tilespmem:s25], [sflag:$0x2], $0x80, s30, s31, $0xb8;
	[tilespmem:$0x1C100] =	vst v63  }
0xb8: {  	_ =	swait.ge [sflag:s26], $0x4000  }
0xb9: {  	s6 =	smov.u32 s8;
	[sflag:s26] =	ssyncset.done $0x0  }
0xba: {  	s5 =	sadd.s32 s5, s23;
	[sflag:s26] =	ssyncadd.s32 $0xFFFFC000  }
0xbb: {  	[tilespmem:s30], [sflag:$0x2] =	stream.linear.gather [hbm4b:s5+s4], $0x80, $0x38;
	[tilespmem:$0x1C100] =	vst v63  }
0xbc: {  	_ =	swait.ge [sflag:s26], $0x80  }
0xbd: {  	[sflag:s26] =	ssyncset.done $0x0  }
0xbe: {  	[sflag:s26] =	ssyncadd.s32 $0xFFFFFF80  }
0xbf: {  	[spmem:s3] =	stream.indirect.scatter.add.f32 [tilespmem:s25], [sflag:$0x2], $0x80, s30, s31, $0xb8;
	[tilespmem:$0x1C100] =	vst v63  }
0xc0: {  	_ =	swait.ge [sflag:s26], $0x4000  }
0xc1: {  	[sflag:s26] =	ssyncset.done $0x0  }
0xc2: {  	[sflag:s26] =	ssyncadd.s32 $0xFFFFC000  }
0xc3: {  	[bflag:$0x0] =	sbarrier.arrive $0xFFFF  }
0xc4: {  	[tilespmem:s28], [sflag:$0x2] =	stream.linear.gather [spmem:s17], $0x4000, $0x38;
	[tilespmem:$0x1C100] =	vst v63  }
0xc5: {  	_ =	swait.ge [sflag:s26], $0x4000  }
0xc6: {  	[sflag:s26] =	ssyncset.done $0x0  }
0xc7: {  	[sflag:s26] =	ssyncadd.s32 $0xFFFFC000  }
0xc8: {  	[hbm4b:s10+s4] =	stream.linear.scatter [tilespmem:s28], [sflag:$0x2], $0x4000, $0x38;
	[tilespmem:$0x1C100] =	vst v63  }
0xc9: {  	_ =	swait.ge [sflag:s26], $0x4000  }
0xca: {  	[sflag:s26] =	ssyncset.done $0x0  }
0xcb: {  	[sflag:s26] =	ssyncadd.s32 $0xFFFFC000  }
0xcc: {  	[tilespmem:s28], [sflag:$0x2] =	stream.linear.gather [spmem:s18], $0x4000, $0x38;
	[tilespmem:$0x1C100] =	vst v63  }
0xcd: {  	_ =	swait.ge [sflag:s26], $0x4000  }
0xce: {  	[sflag:s26] =	ssyncset.done $0x0  }
0xcf: {  	[sflag:s26] =	ssyncadd.s32 $0xFFFFC000  }
0xd0: {  	[hbm4b:s11+s4] =	stream.linear.scatter [tilespmem:s28], [sflag:$0x2], $0x4000, $0x38;
	[tilespmem:$0x1C100] =	vst v63  }
0xd1: {  	_ =	swait.ge [sflag:s26], $0x4000  }
0xd2: {  	[sflag:s26] =	ssyncset.done $0x0  }
0xd3: {  	[sflag:s26] =	ssyncadd.s32 $0xFFFFC000  }
0xd4: {  	[tilespmem:s28], [sflag:$0x2] =	stream.linear.gather [spmem:s19], $0x4000, $0x38;
	[tilespmem:$0x1C100] =	vst v63  }
0xd5: {  	_ =	swait.ge [sflag:s26], $0x4000  }
0xd6: {  	[sflag:s26] =	ssyncset.done $0x0  }
0xd7: {  	[sflag:s26] =	ssyncadd.s32 $0xFFFFC000  }
0xd8: {  	[hbm4b:s12+s4] =	stream.linear.scatter [tilespmem:s28], [sflag:$0x2], $0x4000, $0x38;
	[tilespmem:$0x1C100] =	vst v63  }
0xd9: {  	_ =	swait.ge [sflag:s26], $0x4000  }
0xda: {  	[sflag:s26] =	ssyncset.done $0x0  }
0xdb: {  	[sflag:s26] =	ssyncadd.s32 $0xFFFFC000  }
0xdc: {  	[tilespmem:s28], [sflag:$0x2] =	stream.linear.gather [spmem:s20], $0x4000, $0x38;
	[tilespmem:$0x1C100] =	vst v63  }
0xdd: {  	_ =	swait.ge [sflag:s26], $0x4000  }
0xde: {  	[sflag:s26] =	ssyncset.done $0x0  }
0xdf: {  	[sflag:s26] =	ssyncadd.s32 $0xFFFFC000  }
0xe0: {  	[hbm4b:s13+s4] =	stream.linear.scatter [tilespmem:s28], [sflag:$0x2], $0x4000, $0x38;
	[tilespmem:$0x1C100] =	vst v63  }
0xe1: {  	_ =	swait.ge [sflag:s26], $0x4000  }
0xe2: {  	[sflag:s26] =	ssyncset.done $0x0  }
0xe3: {  	[sflag:s26] =	ssyncadd.s32 $0xFFFFC000  }
0xe4: {  	[tilespmem:s28], [sflag:$0x2] =	stream.linear.gather [spmem:s21], $0x4000, $0x38;
	[tilespmem:$0x1C100] =	vst v63  }
0xe5: {  	s1 =	sadd.s32 $0x1, s1;
	_ =	swait.ge [sflag:s26], $0x4000  }
0xe6: {  	p0 =	sne.s32 s1, s22;
	[sflag:s26] =	ssyncset.done $0x0  }
.Ltmp2:
0xe7: {  	[sflag:s26] =	ssyncadd.s32 $0xFFFFC000;
	(pc) =	sbr.rel @p0 .LBB2_1-.Ltmp2, $4  }
0xe8: {  	[hbm4b:s14+s4] =	stream.linear.scatter [tilespmem:s28], [sflag:$0x2], $0x4000, $0x38;
	[tilespmem:$0x1C100] =	vst v63  }
0xe9: {  	_ =	swait.ge [sflag:s26], $0x4000  }
0xea: {  	[sflag:s26] =	ssyncset.done $0x0  }
0xeb: {  	[sflag:s26] =	ssyncadd.s32 $0xFFFFC000  }
0xec: {  	_ =	sfence.sel $0x180000  }
0xed: {  	[bflag:$0x0] =	sbarrier.arrive $0xFFFF  }
0xee: {  	_ =	strace $0x90000047  }
0xef: {  	s0 =	stileid.u32;
	[bflag:$0x2] =	sbarrier.arrive $0xFFFF  }
0xf0: {  	p0 =	sne.s32 s0, $0x0;
	s0 =	rddreg [dreg:$0x4]  }
0xf1: {  	s0 =	sadd.s32 @!p0 $0x100000, s0  }
0xf2: {  	[sflag:s0] =	ssyncadd.tile.s32 @!p0 $0x1;
	_ =	shalt  }
.Lfunc_end2:
_tile_overlayer_lowered:
.L_overlay_start_2:
0xf3: {  	(tag) =	ssettag $0x2  }
0xf4: {  	s0 =	rddreg [dreg:$0x0];
	s2 =	stileid.u32  }
0xf5: {  	s1 =	rddreg [dreg:$0x1];
	p0 =	sne.s32 s2, $0x0  }
0xf6: {  	s3 =	rddreg [dreg:$0x2];
	[bflag:$0x3] =	sbarrier.arrive $0xFFFF;
	s2 =	simm.s32 @!p0 $0x1C02  }
0xf7: {  	[timem:s3], [sflag:s2] =	dma.local @!p0 [hbm:s0], s1  }
0xf8: {  	s0 =	simm.s32 @!p0 $0x2  }
0xf9: {  	_ =	swait.ge @!p0 [sflag:s0], s1  }
0xfa: {  	s1 =	ssub.s32 @!p0 $0x0, s1;
	[sflag:s0] =	ssyncset.done @!p0 $0x0  }
0xfb: {  	[sflag:s0] =	ssyncadd.s32 @!p0 s1  }
0xfc: {  	[bflag:$0x3] =	sbarrier.arrive $0xFFFF  }
0xfd: {  	_ =	shalt  }

</sc_bundles>
